<compile_context>
chip_gen: v7x
topology: tpu7x:2x2x1
jax: 0.10.2.dev20260603
libtpu: 0.0.44.dev20260713+nightly
codegen_flags: <defaults>
</compile_context>

<pallas_src>
import functools

import jax
import jax.numpy as jnp
from jax import lax
from jax.experimental import pallas as pl
from jax.experimental.pallas import tpu as pltpu
from jax.experimental.pallas import tpu_sc as plsc

N = 10000
E = 320000
IN_DIM = 160
HALF = 80
FEAT = 128

EDGES_PER_TILE = E // 16
CHUNK = 80
NCHUNKS = EDGES_PER_TILE // CHUNK
ROWS_PER_SUB = N // 16
CNT_W = 16
NBUF = 4
HCH = NCHUNKS // 2


def _sc_aggregate(x0, x1, src_e, dst_e):
  mesh = plsc.VectorSubcoreMesh(core_axis_name="c", subcore_axis_name="s")
  zrow = jnp.zeros((ROWS_PER_SUB, HALF), jnp.float32)
  zcnt = jnp.zeros((ROWS_PER_SUB, CNT_W), jnp.float32)
  ones = jnp.ones((CHUNK, CNT_W), jnp.float32)

  @functools.partial(
      pl.kernel,
      out_type=jax.ShapeDtypeStruct((2, N, FEAT), jnp.float32),
      mesh=mesh,
      compiler_params=pltpu.CompilerParams(use_tc_tiling_on_sc=False),
      scratch_types=[
          pltpu.VMEM((NCHUNKS, CHUNK), jnp.int32),
          pltpu.VMEM((NCHUNKS, CHUNK), jnp.int32),
          [pltpu.VMEM((CHUNK, HALF), jnp.float32) for _ in range(NBUF)],
          pltpu.VMEM((CHUNK, CNT_W), jnp.float32),
          pltpu.VMEM_SHARED((N, HALF), jnp.float32),
          pltpu.VMEM_SHARED((N, CNT_W), jnp.float32),
          [pltpu.SemaphoreType.DMA for _ in range(NBUF)],
      ],
  )
  def agg_kernel(x0_hbm, x1_hbm, src_hbm, dst_hbm, zrow_hbm, zcnt_hbm,
                 ones_hbm, out,
                 src_v, dst_v, rows, ones_v, agg_s, cnt_s, gsem):
    c = lax.axis_index("c")
    s = lax.axis_index("s")
    base = s * ROWS_PER_SUB

    pltpu.sync_copy(src_hbm.at[s], src_v)
    pltpu.sync_copy(dst_hbm.at[s], dst_v)
    pltpu.sync_copy(ones_hbm, ones_v)

    pltpu.sync_copy(zrow_hbm, agg_s.at[pl.ds(base, ROWS_PER_SUB)])
    pltpu.sync_copy(zcnt_hbm, cnt_s.at[pl.ds(base, ROWS_PER_SUB)])

    def sidx(j):
      return src_v.at[j]

    def didx(j):
      return dst_v.at[j]

    def start_gather(j, b):
      @pl.when(c == 0)
      def _():
        pltpu.make_async_copy(x0_hbm.at[sidx(j)], rows[b], gsem[b]).start()
      @pl.when(c == 1)
      def _():
        pltpu.make_async_copy(x1_hbm.at[sidx(j)], rows[b], gsem[b]).start()

    def wait_gather(j, b):
      pltpu.make_async_copy(x0_hbm.at[sidx(j)], rows[b], gsem[b]).wait()

    def cnt_cond(j):
      return (j >= c * HCH) & (j < (c + 1) * HCH)

    def scatter(j, buf):
      pltpu.sync_copy(buf, agg_s.at[didx(j)], add=True)
      @pl.when(cnt_cond(j))
      def _():
        pltpu.sync_copy(ones_v, cnt_s.at[didx(j)], add=True)

    start_gather(0, 0)
    start_gather(1, 1)
    start_gather(2, 2)
    plsc.subcore_barrier()

    def body(g, carry):
      j0 = NBUF * g
      for b in range(NBUF):
        j = j0 + b
        @pl.when(j < NCHUNKS)
        def _():
          wait_gather(j, b)
          @pl.when(j + 3 < NCHUNKS)
          def _():
            start_gather(j + 3, (b + 3) % NBUF)
          scatter(j, rows[b])
      return carry

    lax.fori_loop(0, (NCHUNKS + NBUF - 1) // NBUF, body, 0)

    plsc.subcore_barrier()
    pltpu.sync_copy(agg_s.at[pl.ds(base, ROWS_PER_SUB)],
                    out.at[c, pl.ds(base, ROWS_PER_SUB), pl.ds(0, HALF)])
    pltpu.sync_copy(cnt_s.at[pl.ds(base, ROWS_PER_SUB)],
                    out.at[c, pl.ds(base, ROWS_PER_SUB), pl.ds(HALF, CNT_W)])

  return agg_kernel(x0, x1, src_e, dst_e, zrow, zcnt, ones)


def _tc_body(sc_ref, nf_ref, nz_ref, wl_ref, wr_ref, b_ref, g_ref,
             be_ref, w1_ref, b1_ref, w2_ref, b2_ref, w3_ref, b3_ref, w4_ref,
             b4_ref, out_ref):
  p0 = sc_ref[0]
  p1 = sc_ref[1]
  inv = 1.0 / jnp.maximum(p0[:, HALF:HALF + 1] + p1[:, HALF:HALF + 1], 1.0)
  h = (jnp.dot(p0[:, 0:HALF] * inv, wl_ref[0:HALF],
               preferred_element_type=jnp.float32)
       + jnp.dot(p1[:, 0:HALF] * inv, wl_ref[HALF:IN_DIM],
                 preferred_element_type=jnp.float32)
       + jnp.dot(nf_ref[...], wr_ref[0:FEAT],
                 preferred_element_type=jnp.float32)
       + jnp.dot(nz_ref[...], wr_ref[FEAT:IN_DIM],
                 preferred_element_type=jnp.float32)
       + b_ref[...])
  mu = jnp.mean(h, axis=0, keepdims=True)
  var = jnp.mean(h * h, axis=0, keepdims=True) - mu * mu
  h = (h - mu) * (g_ref[...] * lax.rsqrt(var + 1e-5)) + be_ref[...]
  h = jnp.where(h > 0, h, 0.2 * h)
  h = jnp.dot(h, w1_ref[...], preferred_element_type=jnp.float32) + b1_ref[...]
  h = jnp.where(h > 0, h, 0.2 * h)
  h = jnp.dot(h, w2_ref[...], preferred_element_type=jnp.float32) + b2_ref[...]
  h = jnp.where(h > 0, h, 0.2 * h)
  h = jnp.dot(h, w3_ref[...], preferred_element_type=jnp.float32) + b3_ref[...]
  h = jnp.where(h > 0, h, 0.2 * h)
  h = jnp.dot(h, w4_ref[...], preferred_element_type=jnp.float32) + b4_ref[...]
  out_ref[...] = jnp.where(h > 0, h, 0.2 * h)


def kernel(normal_features, noise, edge_index, batch, W_l, W_r, b_sage,
           gamma, beta, fc1_W, fc1_b, fc2_W, fc2_b, fc3_W, fc3_b,
           fc4_W, fc4_b):
  del batch
  x0 = normal_features[:, :HALF]
  x1 = jnp.concatenate([normal_features[:, HALF:], noise], axis=1)
  sc_out = _sc_aggregate(x0, x1,
                         edge_index[0].reshape(16, NCHUNKS, CHUNK),
                         edge_index[1].reshape(16, NCHUNKS, CHUNK))
  return pl.pallas_call(
      _tc_body,
      out_shape=jax.ShapeDtypeStruct((N, FEAT), jnp.float32),
  )(sc_out, normal_features, noise, W_l, W_r, b_sage, gamma, beta,
    fc1_W, fc1_b, fc2_W, fc2_b, fc3_W, fc3_b, fc4_W, fc4_b)

# --- scband reference (transcript-rebuilt; emitter-appended) ---
"""Pipeline reference for scband-generator-36945308680832 (READ-ONLY COPY).

The authoritative reference and input builder live on the scoring server;
editing this copy changes nothing except your own understanding.
"""

import jax, jax.numpy as jnp
import numpy as np

N = 10000
E = 320000
FEAT = 128
NOISE = 32
HID = 256
IN_DIM = FEAT + NOISE


def setup_inputs(seed: int = 0) -> dict:
    key = jax.random.key(seed)
    ks = jax.random.split(key, 16)
    inp = {}
    inp["normal_features"] = jax.random.normal(ks[0], (N, FEAT), dtype=jnp.float32)
    inp["noise"] = jax.random.normal(ks[1], (N, NOISE), dtype=jnp.float32)
    inp["edge_index"] = jax.random.randint(ks[2], (2, E), 0, N, dtype=jnp.int32)
    inp["batch"] = jnp.sort(jax.random.randint(ks[3], (N,), 0, 64, dtype=jnp.int32))
    # SAGEConv params: lin_l applied to aggregated neighbors, lin_r applied to root
    inp["W_l"] = jax.random.normal(ks[4], (IN_DIM, HID), dtype=jnp.float32) / np.sqrt(IN_DIM)
    inp["W_r"] = jax.random.normal(ks[5], (IN_DIM, HID), dtype=jnp.float32) / np.sqrt(IN_DIM)
    inp["b_sage"] = jnp.zeros((HID,), dtype=jnp.float32)
    # BatchNorm affine params
    inp["gamma"] = jnp.ones((HID,), dtype=jnp.float32)
    inp["beta"] = jnp.zeros((HID,), dtype=jnp.float32)
    # FC stack
    inp["fc1_W"] = jax.random.normal(ks[6], (HID, HID // 2), dtype=jnp.float32) / np.sqrt(HID)
    inp["fc1_b"] = jnp.zeros((HID // 2,), dtype=jnp.float32)
    inp["fc2_W"] = jax.random.normal(ks[7], (HID // 2, HID // 4), dtype=jnp.float32) / np.sqrt(HID // 2)
    inp["fc2_b"] = jnp.zeros((HID // 4,), dtype=jnp.float32)
    inp["fc3_W"] = jax.random.normal(ks[8], (HID // 4, HID // 4), dtype=jnp.float32) / np.sqrt(HID // 4)
    inp["fc3_b"] = jnp.zeros((HID // 4,), dtype=jnp.float32)
    inp["fc4_W"] = jax.random.normal(ks[9], (HID // 4, FEAT), dtype=jnp.float32) / np.sqrt(HID // 4)
    inp["fc4_b"] = jnp.zeros((FEAT,), dtype=jnp.float32)
    return inp


def _leaky(v):
    return jnp.where(v > 0, v, 0.2 * v)


def reference(normal_features, noise, edge_index, batch, W_l, W_r, b_sage, gamma, beta,
              fc1_W, fc1_b, fc2_W, fc2_b, fc3_W, fc3_b, fc4_W, fc4_b):
    x = jnp.concatenate([normal_features, noise], axis=1)
    src = edge_index[0]
    dst = edge_index[1]
    # SAGEConv with mean aggregation: out = lin_l(mean_{j in N(i)} x_j) + lin_r(x_i) + bias
    agg = jax.ops.segment_sum(x[src], dst, num_segments=N)
    cnt = jax.ops.segment_sum(jnp.ones((E,), dtype=x.dtype), dst, num_segments=N)
    mean_agg = agg / jnp.clip(cnt, 1.0, None)[:, None]
    h = mean_agg @ W_l + x @ W_r + b_sage
    # BatchNorm (training-mode batch statistics over nodes)
    mu = jnp.mean(h, axis=0)
    var = jnp.var(h, axis=0)
    h = (h - mu) / jnp.sqrt(var + 1e-5) * gamma + beta
    h = _leaky(h)
    # dropout is identity in eval / inference
    h = _leaky(h @ fc1_W + fc1_b)
    h = _leaky(h @ fc2_W + fc2_b)
    h = _leaky(h @ fc3_W + fc3_b)
    h = _leaky(h @ fc4_W + fc4_b)
    return h


if False:  # reference __main__ guard neutralized (emitter)
    out = reference(**setup_inputs())
    print(out.shape, out.dtype)

if __name__ == "__main__":
    import jax
    _d = setup_inputs()
    print(jax.jit(kernel)(*tuple(_d.values())))

</pallas_src>

<mosaic_0001>
#map = affine_map<(d0, d1) -> (0, 0)>
#map1 = affine_map<(d0, d1) -> (0, 0, 0)>
module attributes {stable_mosaic.version = 14 : i64} {
  func.func @agg_kernel(%arg0: i32, %arg1: i32, %arg2: memref<10000x80xf32, #tpu.memory_space<hbm>>, %arg3: memref<10000x80xf32, #tpu.memory_space<hbm>>, %arg4: memref<16x250x80xi32, #tpu.memory_space<hbm>>, %arg5: memref<16x250x80xi32, #tpu.memory_space<hbm>>, %arg6: memref<625x80xf32, #tpu.memory_space<hbm>>, %arg7: memref<625x16xf32, #tpu.memory_space<hbm>>, %arg8: memref<80x16xf32, #tpu.memory_space<hbm>>, %arg9: memref<2x10000x128xf32, #tpu.memory_space<hbm>>, %arg10: memref<250x80xi32, #tpu.memory_space<vmem>>, %arg11: memref<250x80xi32, #tpu.memory_space<vmem>>, %arg12: memref<80x80xf32, #tpu.memory_space<vmem>>, %arg13: memref<80x80xf32, #tpu.memory_space<vmem>>, %arg14: memref<80x80xf32, #tpu.memory_space<vmem>>, %arg15: memref<80x80xf32, #tpu.memory_space<vmem>>, %arg16: memref<80x16xf32, #tpu.memory_space<vmem>>, %arg17: memref<10000x80xf32, #tpu.memory_space<vmem_shared>>, %arg18: memref<10000x16xf32, #tpu.memory_space<vmem_shared>>, %arg19: memref<!tpu.dma_semaphore, #tpu.memory_space<semaphore_mem>>, %arg20: memref<!tpu.dma_semaphore, #tpu.memory_space<semaphore_mem>>, %arg21: memref<!tpu.dma_semaphore, #tpu.memory_space<semaphore_mem>>, %arg22: memref<!tpu.dma_semaphore, #tpu.memory_space<semaphore_mem>>) attributes {dimension_semantics = [#tpu.dimension_semantics<core_parallel>, #tpu.dimension_semantics<subcore_parallel>], iteration_bounds = array<i64: 2, 16>, scalar_prefetch = 0 : i64, scratch_operands = 13 : i64, tpu.core_type = #tpu.core_type<sc_vector_subcore>, window_params = [{transform_indices = #map}, {transform_indices = #map}, {transform_indices = #map1}, {transform_indices = #map1}, {transform_indices = #map}, {transform_indices = #map}, {transform_indices = #map}, {transform_indices = #map1}]} {
    %mul3A = arith.constant 625 : i32
    %mul3A_0 = arith.muli %arg1, %mul3A : i32
    "tpu.region"() ({
      %run_scoped3A = tpu.sem_alloc : memref<!tpu.dma_semaphore, #tpu.memory_space<semaphore_mem>>
      %dma_start3A = arith.constant 0 : i32
      %dma_start3A_34 = arith.constant 0 : i32
      %dma_start3A_35 = tpu.memref_slice %arg4[%arg1, %dma_start3A, %dma_start3A_34] : memref<16x250x80xi32, #tpu.memory_space<hbm>> -> memref<1x250x80xi32, #tpu.memory_space<hbm>>
      %dma_start3A_36 = tpu.memref_squeeze %dma_start3A_35 : memref<1x250x80xi32, #tpu.memory_space<hbm>> -> memref<250x80xi32, #tpu.memory_space<hbm>>
      %dma_start3A_37 = arith.constant 0 : i32
      %dma_start3A_38 = arith.constant 0 : i32
      %dma_start3A_39 = tpu.memref_slice %arg4[%arg1, %dma_start3A_37, %dma_start3A_38] : memref<16x250x80xi32, #tpu.memory_space<hbm>> -> memref<1x250x80xi32, #tpu.memory_space<hbm>>
      %dma_start3A_40 = tpu.memref_squeeze %dma_start3A_39 : memref<1x250x80xi32, #tpu.memory_space<hbm>> -> memref<250x80xi32, #tpu.memory_space<hbm>>
      tpu.enqueue_dma source(%dma_start3A_40 : memref<250x80xi32, #tpu.memory_space<hbm>>) target(%arg10 : memref<250x80xi32, #tpu.memory_space<vmem>>) target_semaphore(%run_scoped3A : memref<!tpu.dma_semaphore, #tpu.memory_space<semaphore_mem>>)
      %dma_wait3A = arith.constant 0 : i32
      %dma_wait3A_41 = arith.constant 0 : i32
      %dma_wait3A_42 = tpu.memref_slice %arg4[%arg1, %dma_wait3A, %dma_wait3A_41] : memref<16x250x80xi32, #tpu.memory_space<hbm>> -> memref<1x250x80xi32, #tpu.memory_space<hbm>>
      %dma_wait3A_43 = tpu.memref_squeeze %dma_wait3A_42 : memref<1x250x80xi32, #tpu.memory_space<hbm>> -> memref<250x80xi32, #tpu.memory_space<hbm>>
      %dma_wait3A_44 = arith.constant 0 : i32
      %dma_wait3A_45 = arith.constant 0 : i32
      %dma_wait3A_46 = tpu.memref_slice %arg4[%arg1, %dma_wait3A_44, %dma_wait3A_45] : memref<16x250x80xi32, #tpu.memory_space<hbm>> -> memref<1x250x80xi32, #tpu.memory_space<hbm>>
      %dma_wait3A_47 = tpu.memref_squeeze %dma_wait3A_46 : memref<1x250x80xi32, #tpu.memory_space<hbm>> -> memref<250x80xi32, #tpu.memory_space<hbm>>
      tpu.wait_dma2 semaphore(%run_scoped3A : memref<!tpu.dma_semaphore, #tpu.memory_space<semaphore_mem>>) src(%dma_wait3A_47 : memref<250x80xi32, #tpu.memory_space<hbm>>) dst(%arg10 : memref<250x80xi32, #tpu.memory_space<vmem>>)
      tpu.yield
    }) : () -> ()
    "tpu.region"() ({
      %run_scoped3A = tpu.sem_alloc : memref<!tpu.dma_semaphore, #tpu.memory_space<semaphore_mem>>
      %dma_start3A = arith.constant 0 : i32
      %dma_start3A_34 = arith.constant 0 : i32
      %dma_start3A_35 = tpu.memref_slice %arg5[%arg1, %dma_start3A, %dma_start3A_34] : memref<16x250x80xi32, #tpu.memory_space<hbm>> -> memref<1x250x80xi32, #tpu.memory_space<hbm>>
      %dma_start3A_36 = tpu.memref_squeeze %dma_start3A_35 : memref<1x250x80xi32, #tpu.memory_space<hbm>> -> memref<250x80xi32, #tpu.memory_space<hbm>>
      %dma_start3A_37 = arith.constant 0 : i32
      %dma_start3A_38 = arith.constant 0 : i32
      %dma_start3A_39 = tpu.memref_slice %arg5[%arg1, %dma_start3A_37, %dma_start3A_38] : memref<16x250x80xi32, #tpu.memory_space<hbm>> -> memref<1x250x80xi32, #tpu.memory_space<hbm>>
      %dma_start3A_40 = tpu.memref_squeeze %dma_start3A_39 : memref<1x250x80xi32, #tpu.memory_space<hbm>> -> memref<250x80xi32, #tpu.memory_space<hbm>>
      tpu.enqueue_dma source(%dma_start3A_40 : memref<250x80xi32, #tpu.memory_space<hbm>>) target(%arg11 : memref<250x80xi32, #tpu.memory_space<vmem>>) target_semaphore(%run_scoped3A : memref<!tpu.dma_semaphore, #tpu.memory_space<semaphore_mem>>)
      %dma_wait3A = arith.constant 0 : i32
      %dma_wait3A_41 = arith.constant 0 : i32
      %dma_wait3A_42 = tpu.memref_slice %arg5[%arg1, %dma_wait3A, %dma_wait3A_41] : memref<16x250x80xi32, #tpu.memory_space<hbm>> -> memref<1x250x80xi32, #tpu.memory_space<hbm>>
      %dma_wait3A_43 = tpu.memref_squeeze %dma_wait3A_42 : memref<1x250x80xi32, #tpu.memory_space<hbm>> -> memref<250x80xi32, #tpu.memory_space<hbm>>
      %dma_wait3A_44 = arith.constant 0 : i32
      %dma_wait3A_45 = arith.constant 0 : i32
      %dma_wait3A_46 = tpu.memref_slice %arg5[%arg1, %dma_wait3A_44, %dma_wait3A_45] : memref<16x250x80xi32, #tpu.memory_space<hbm>> -> memref<1x250x80xi32, #tpu.memory_space<hbm>>
      %dma_wait3A_47 = tpu.memref_squeeze %dma_wait3A_46 : memref<1x250x80xi32, #tpu.memory_space<hbm>> -> memref<250x80xi32, #tpu.memory_space<hbm>>
      tpu.wait_dma2 semaphore(%run_scoped3A : memref<!tpu.dma_semaphore, #tpu.memory_space<semaphore_mem>>) src(%dma_wait3A_47 : memref<250x80xi32, #tpu.memory_space<hbm>>) dst(%arg11 : memref<250x80xi32, #tpu.memory_space<vmem>>)
      tpu.yield
    }) : () -> ()
    "tpu.region"() ({
      %run_scoped3A = tpu.sem_alloc : memref<!tpu.dma_semaphore, #tpu.memory_space<semaphore_mem>>
      tpu.enqueue_dma source(%arg8 : memref<80x16xf32, #tpu.memory_space<hbm>>) target(%arg16 : memref<80x16xf32, #tpu.memory_space<vmem>>) target_semaphore(%run_scoped3A : memref<!tpu.dma_semaphore, #tpu.memory_space<semaphore_mem>>)
      tpu.wait_dma2 semaphore(%run_scoped3A : memref<!tpu.dma_semaphore, #tpu.memory_space<semaphore_mem>>) src(%arg8 : memref<80x16xf32, #tpu.memory_space<hbm>>) dst(%arg16 : memref<80x16xf32, #tpu.memory_space<vmem>>)
      tpu.yield
    }) : () -> ()
    "tpu.region"() ({
      %run_scoped3A = tpu.sem_alloc : memref<!tpu.dma_semaphore, #tpu.memory_space<semaphore_mem>>
      %dma_start3A = arith.constant 0 : i32
      %dma_start3A_34 = tpu.memref_slice %arg17[%mul3A_0, %dma_start3A] : memref<10000x80xf32, #tpu.memory_space<vmem_shared>> -> memref<625x80xf32, #tpu.memory_space<vmem_shared>>
      tpu.enqueue_dma source(%arg6 : memref<625x80xf32, #tpu.memory_space<hbm>>) target(%dma_start3A_34 : memref<625x80xf32, #tpu.memory_space<vmem_shared>>) target_semaphore(%run_scoped3A : memref<!tpu.dma_semaphore, #tpu.memory_space<semaphore_mem>>)
      %dma_wait3A = arith.constant 0 : i32
      %dma_wait3A_35 = tpu.memref_slice %arg17[%mul3A_0, %dma_wait3A] : memref<10000x80xf32, #tpu.memory_space<vmem_shared>> -> memref<625x80xf32, #tpu.memory_space<vmem_shared>>
      tpu.wait_dma2 semaphore(%run_scoped3A : memref<!tpu.dma_semaphore, #tpu.memory_space<semaphore_mem>>) src(%arg6 : memref<625x80xf32, #tpu.memory_space<hbm>>) dst(%dma_wait3A_35 : memref<625x80xf32, #tpu.memory_space<vmem_shared>>)
      tpu.yield
    }) : () -> ()
    "tpu.region"() ({
      %run_scoped3A = tpu.sem_alloc : memref<!tpu.dma_semaphore, #tpu.memory_space<semaphore_mem>>
      %dma_start3A = arith.constant 0 : i32
      %dma_start3A_34 = tpu.memref_slice %arg18[%mul3A_0, %dma_start3A] : memref<10000x16xf32, #tpu.memory_space<vmem_shared>> -> memref<625x16xf32, #tpu.memory_space<vmem_shared>>
      tpu.enqueue_dma source(%arg7 : memref<625x16xf32, #tpu.memory_space<hbm>>) target(%dma_start3A_34 : memref<625x16xf32, #tpu.memory_space<vmem_shared>>) target_semaphore(%run_scoped3A : memref<!tpu.dma_semaphore, #tpu.memory_space<semaphore_mem>>)
      %dma_wait3A = arith.constant 0 : i32
      %dma_wait3A_35 = tpu.memref_slice %arg18[%mul3A_0, %dma_wait3A] : memref<10000x16xf32, #tpu.memory_space<vmem_shared>> -> memref<625x16xf32, #tpu.memory_space<vmem_shared>>
      tpu.wait_dma2 semaphore(%run_scoped3A : memref<!tpu.dma_semaphore, #tpu.memory_space<semaphore_mem>>) src(%arg7 : memref<625x16xf32, #tpu.memory_space<hbm>>) dst(%dma_wait3A_35 : memref<625x16xf32, #tpu.memory_space<vmem_shared>>)
      tpu.yield
    }) : () -> ()
    %eq3A = arith.constant 0 : i32
    %eq3A_1 = arith.cmpi eq, %arg0, %eq3A : i32
    %convert_element_type3A = arith.extui %eq3A_1 : i1 to i32
    %cond3A = arith.constant 0 : i32
    %cond3A_2 = arith.cmpi ne, %convert_element_type3A, %cond3A : i32
    scf.if %cond3A_2 {
      %dma_start3A = arith.constant 0 : i32
      %dma_start3A_34 = arith.constant 0 : i32
      %dma_start3A_35 = tpu.memref_slice %arg10[%dma_start3A, %dma_start3A_34] : memref<250x80xi32, #tpu.memory_space<vmem>> -> memref<1x80xi32, #tpu.memory_space<vmem>>
      %dma_start3A_36 = tpu.memref_squeeze %dma_start3A_35 : memref<1x80xi32, #tpu.memory_space<vmem>> -> memref<80xi32, #tpu.memory_space<vmem>>
      %dma_start3A_37 = arith.constant 0 : i32
      %dma_start3A_38 = arith.constant 0 : i32
      %dma_start3A_39 = tpu.memref_slice %arg2[%dma_start3A_37, %dma_start3A_38] : memref<10000x80xf32, #tpu.memory_space<hbm>> -> memref<10000x80xf32, #tpu.memory_space<hbm>>
      tpu.enqueue_indirect_dma source(%dma_start3A_39 : memref<10000x80xf32, #tpu.memory_space<hbm>>) target(%arg12 : memref<80x80xf32, #tpu.memory_space<vmem>>) offsets(%dma_start3A_36 : memref<80xi32, #tpu.memory_space<vmem>>) semaphore(%arg19 : memref<!tpu.dma_semaphore, #tpu.memory_space<semaphore_mem>>)
    } else {
    }
    %eq3A_3 = arith.constant 1 : i32
    %eq3A_4 = arith.cmpi eq, %arg0, %eq3A_3 : i32
    %convert_element_type3A_5 = arith.extui %eq3A_4 : i1 to i32
    %cond3A_6 = arith.constant 0 : i32
    %cond3A_7 = arith.cmpi ne, %convert_element_type3A_5, %cond3A_6 : i32
    scf.if %cond3A_7 {
      %dma_start3A = arith.constant 0 : i32
      %dma_start3A_34 = arith.constant 0 : i32
      %dma_start3A_35 = tpu.memref_slice %arg10[%dma_start3A, %dma_start3A_34] : memref<250x80xi32, #tpu.memory_space<vmem>> -> memref<1x80xi32, #tpu.memory_space<vmem>>
      %dma_start3A_36 = tpu.memref_squeeze %dma_start3A_35 : memref<1x80xi32, #tpu.memory_space<vmem>> -> memref<80xi32, #tpu.memory_space<vmem>>
      %dma_start3A_37 = arith.constant 0 : i32
      %dma_start3A_38 = arith.constant 0 : i32
      %dma_start3A_39 = tpu.memref_slice %arg3[%dma_start3A_37, %dma_start3A_38] : memref<10000x80xf32, #tpu.memory_space<hbm>> -> memref<10000x80xf32, #tpu.memory_space<hbm>>
      tpu.enqueue_indirect_dma source(%dma_start3A_39 : memref<10000x80xf32, #tpu.memory_space<hbm>>) target(%arg12 : memref<80x80xf32, #tpu.memory_space<vmem>>) offsets(%dma_start3A_36 : memref<80xi32, #tpu.memory_space<vmem>>) semaphore(%arg19 : memref<!tpu.dma_semaphore, #tpu.memory_space<semaphore_mem>>)
    } else {
    }
    %eq3A_8 = arith.constant 0 : i32
    %eq3A_9 = arith.cmpi eq, %arg0, %eq3A_8 : i32
    %convert_element_type3A_10 = arith.extui %eq3A_9 : i1 to i32
    %cond3A_11 = arith.constant 0 : i32
    %cond3A_12 = arith.cmpi ne, %convert_element_type3A_10, %cond3A_11 : i32
    scf.if %cond3A_12 {
      %dma_start3A = arith.constant 1 : i32
      %dma_start3A_34 = arith.constant 0 : i32
      %dma_start3A_35 = tpu.memref_slice %arg10[%dma_start3A, %dma_start3A_34] : memref<250x80xi32, #tpu.memory_space<vmem>> -> memref<1x80xi32, #tpu.memory_space<vmem>>
      %dma_start3A_36 = tpu.memref_squeeze %dma_start3A_35 : memref<1x80xi32, #tpu.memory_space<vmem>> -> memref<80xi32, #tpu.memory_space<vmem>>
      %dma_start3A_37 = arith.constant 0 : i32
      %dma_start3A_38 = arith.constant 0 : i32
      %dma_start3A_39 = tpu.memref_slice %arg2[%dma_start3A_37, %dma_start3A_38] : memref<10000x80xf32, #tpu.memory_space<hbm>> -> memref<10000x80xf32, #tpu.memory_space<hbm>>
      tpu.enqueue_indirect_dma source(%dma_start3A_39 : memref<10000x80xf32, #tpu.memory_space<hbm>>) target(%arg13 : memref<80x80xf32, #tpu.memory_space<vmem>>) offsets(%dma_start3A_36 : memref<80xi32, #tpu.memory_space<vmem>>) semaphore(%arg20 : memref<!tpu.dma_semaphore, #tpu.memory_space<semaphore_mem>>)
    } else {
    }
    %eq3A_13 = arith.constant 1 : i32
    %eq3A_14 = arith.cmpi eq, %arg0, %eq3A_13 : i32
    %convert_element_type3A_15 = arith.extui %eq3A_14 : i1 to i32
    %cond3A_16 = arith.constant 0 : i32
    %cond3A_17 = arith.cmpi ne, %convert_element_type3A_15, %cond3A_16 : i32
    scf.if %cond3A_17 {
      %dma_start3A = arith.constant 1 : i32
      %dma_start3A_34 = arith.constant 0 : i32
      %dma_start3A_35 = tpu.memref_slice %arg10[%dma_start3A, %dma_start3A_34] : memref<250x80xi32, #tpu.memory_space<vmem>> -> memref<1x80xi32, #tpu.memory_space<vmem>>
      %dma_start3A_36 = tpu.memref_squeeze %dma_start3A_35 : memref<1x80xi32, #tpu.memory_space<vmem>> -> memref<80xi32, #tpu.memory_space<vmem>>
      %dma_start3A_37 = arith.constant 0 : i32
      %dma_start3A_38 = arith.constant 0 : i32
      %dma_start3A_39 = tpu.memref_slice %arg3[%dma_start3A_37, %dma_start3A_38] : memref<10000x80xf32, #tpu.memory_space<hbm>> -> memref<10000x80xf32, #tpu.memory_space<hbm>>
      tpu.enqueue_indirect_dma source(%dma_start3A_39 : memref<10000x80xf32, #tpu.memory_space<hbm>>) target(%arg13 : memref<80x80xf32, #tpu.memory_space<vmem>>) offsets(%dma_start3A_36 : memref<80xi32, #tpu.memory_space<vmem>>) semaphore(%arg20 : memref<!tpu.dma_semaphore, #tpu.memory_space<semaphore_mem>>)
    } else {
    }
    %eq3A_18 = arith.constant 0 : i32
    %eq3A_19 = arith.cmpi eq, %arg0, %eq3A_18 : i32
    %convert_element_type3A_20 = arith.extui %eq3A_19 : i1 to i32
    %cond3A_21 = arith.constant 0 : i32
    %cond3A_22 = arith.cmpi ne, %convert_element_type3A_20, %cond3A_21 : i32
    scf.if %cond3A_22 {
      %dma_start3A = arith.constant 2 : i32
      %dma_start3A_34 = arith.constant 0 : i32
      %dma_start3A_35 = tpu.memref_slice %arg10[%dma_start3A, %dma_start3A_34] : memref<250x80xi32, #tpu.memory_space<vmem>> -> memref<1x80xi32, #tpu.memory_space<vmem>>
      %dma_start3A_36 = tpu.memref_squeeze %dma_start3A_35 : memref<1x80xi32, #tpu.memory_space<vmem>> -> memref<80xi32, #tpu.memory_space<vmem>>
      %dma_start3A_37 = arith.constant 0 : i32
      %dma_start3A_38 = arith.constant 0 : i32
      %dma_start3A_39 = tpu.memref_slice %arg2[%dma_start3A_37, %dma_start3A_38] : memref<10000x80xf32, #tpu.memory_space<hbm>> -> memref<10000x80xf32, #tpu.memory_space<hbm>>
      tpu.enqueue_indirect_dma source(%dma_start3A_39 : memref<10000x80xf32, #tpu.memory_space<hbm>>) target(%arg14 : memref<80x80xf32, #tpu.memory_space<vmem>>) offsets(%dma_start3A_36 : memref<80xi32, #tpu.memory_space<vmem>>) semaphore(%arg21 : memref<!tpu.dma_semaphore, #tpu.memory_space<semaphore_mem>>)
    } else {
    }
    %eq3A_23 = arith.constant 1 : i32
    %eq3A_24 = arith.cmpi eq, %arg0, %eq3A_23 : i32
    %convert_element_type3A_25 = arith.extui %eq3A_24 : i1 to i32
    %cond3A_26 = arith.constant 0 : i32
    %cond3A_27 = arith.cmpi ne, %convert_element_type3A_25, %cond3A_26 : i32
    scf.if %cond3A_27 {
      %dma_start3A = arith.constant 2 : i32
      %dma_start3A_34 = arith.constant 0 : i32
      %dma_start3A_35 = tpu.memref_slice %arg10[%dma_start3A, %dma_start3A_34] : memref<250x80xi32, #tpu.memory_space<vmem>> -> memref<1x80xi32, #tpu.memory_space<vmem>>
      %dma_start3A_36 = tpu.memref_squeeze %dma_start3A_35 : memref<1x80xi32, #tpu.memory_space<vmem>> -> memref<80xi32, #tpu.memory_space<vmem>>
      %dma_start3A_37 = arith.constant 0 : i32
      %dma_start3A_38 = arith.constant 0 : i32
      %dma_start3A_39 = tpu.memref_slice %arg3[%dma_start3A_37, %dma_start3A_38] : memref<10000x80xf32, #tpu.memory_space<hbm>> -> memref<10000x80xf32, #tpu.memory_space<hbm>>
      tpu.enqueue_indirect_dma source(%dma_start3A_39 : memref<10000x80xf32, #tpu.memory_space<hbm>>) target(%arg14 : memref<80x80xf32, #tpu.memory_space<vmem>>) offsets(%dma_start3A_36 : memref<80xi32, #tpu.memory_space<vmem>>) semaphore(%arg21 : memref<!tpu.dma_semaphore, #tpu.memory_space<semaphore_mem>>)
    } else {
    }
    %barrier3A = arith.constant 0 : index
    tpu.barrier barrier_id(%barrier3A)
    %scan3A = arith.constant 0 : i32
    %scan3A_28 = arith.constant 0 : i32
    %scan3A_29 = arith.constant 63 : i32
    %scan3A_30 = arith.addi %scan3A_28, %scan3A_29 : i32
    %scan3A_31 = arith.constant 1 : i32
    scf.for %scan3A_34 = %scan3A_28 to %scan3A_30 step %scan3A_31  : i32 {
      %mul3A_35 = arith.constant 4 : i32
      %mul3A_36 = arith.muli %mul3A_35, %scan3A_34 : i32
      %add3A = arith.constant 0 : i32
      %add3A_37 = arith.addi %mul3A_36, %add3A : i32
      %lt3A = arith.constant 250 : i32
      %lt3A_38 = arith.cmpi slt, %add3A_37, %lt3A : i32
      %convert_element_type3A_39 = arith.extui %lt3A_38 : i1 to i32
      %cond3A_40 = arith.constant 0 : i32
      %cond3A_41 = arith.cmpi ne, %convert_element_type3A_39, %cond3A_40 : i32
      scf.if %cond3A_41 {
        %dma_wait3A = arith.constant 0 : i32
        %dma_wait3A_63 = tpu.memref_slice %arg10[%add3A_37, %dma_wait3A] : memref<250x80xi32, #tpu.memory_space<vmem>> -> memref<1x80xi32, #tpu.memory_space<vmem>>
        %dma_wait3A_64 = tpu.memref_squeeze %dma_wait3A_63 : memref<1x80xi32, #tpu.memory_space<vmem>> -> memref<80xi32, #tpu.memory_space<vmem>>
        %dma_wait3A_65 = arith.constant 0 : i32
        %dma_wait3A_66 = arith.constant 0 : i32
        %dma_wait3A_67 = tpu.memref_slice %arg2[%dma_wait3A_65, %dma_wait3A_66] : memref<10000x80xf32, #tpu.memory_space<hbm>> -> memref<10000x80xf32, #tpu.memory_space<hbm>>
        tpu.wait_indirect_dma semaphore(%arg19 : memref<!tpu.dma_semaphore, #tpu.memory_space<semaphore_mem>>) src(%dma_wait3A_67 : memref<10000x80xf32, #tpu.memory_space<hbm>>) dst(%arg12 : memref<80x80xf32, #tpu.memory_space<vmem>>)
        %add3A_68 = arith.constant 3 : i32
        %add3A_69 = arith.addi %add3A_37, %add3A_68 : i32
        %lt3A_70 = arith.constant 250 : i32
        %lt3A_71 = arith.cmpi slt, %add3A_69, %lt3A_70 : i32
        %convert_element_type3A_72 = arith.extui %lt3A_71 : i1 to i32
        %cond3A_73 = arith.constant 0 : i32
        %cond3A_74 = arith.cmpi ne, %convert_element_type3A_72, %cond3A_73 : i32
        scf.if %cond3A_74 {
          %add3A_85 = arith.constant 3 : i32
          %add3A_86 = arith.addi %add3A_37, %add3A_85 : i32
          %eq3A_87 = arith.constant 0 : i32
          %eq3A_88 = arith.cmpi eq, %arg0, %eq3A_87 : i32
          %convert_element_type3A_89 = arith.extui %eq3A_88 : i1 to i32
          %cond3A_90 = arith.constant 0 : i32
          %cond3A_91 = arith.cmpi ne, %convert_element_type3A_89, %cond3A_90 : i32
          scf.if %cond3A_91 {
            %dma_start3A = arith.constant 0 : i32
            %dma_start3A_97 = tpu.memref_slice %arg10[%add3A_86, %dma_start3A] : memref<250x80xi32, #tpu.memory_space<vmem>> -> memref<1x80xi32, #tpu.memory_space<vmem>>
            %dma_start3A_98 = tpu.memref_squeeze %dma_start3A_97 : memref<1x80xi32, #tpu.memory_space<vmem>> -> memref<80xi32, #tpu.memory_space<vmem>>
            %dma_start3A_99 = arith.constant 0 : i32
            %dma_start3A_100 = arith.constant 0 : i32
            %dma_start3A_101 = tpu.memref_slice %arg2[%dma_start3A_99, %dma_start3A_100] : memref<10000x80xf32, #tpu.memory_space<hbm>> -> memref<10000x80xf32, #tpu.memory_space<hbm>>
            tpu.enqueue_indirect_dma source(%dma_start3A_101 : memref<10000x80xf32, #tpu.memory_space<hbm>>) target(%arg15 : memref<80x80xf32, #tpu.memory_space<vmem>>) offsets(%dma_start3A_98 : memref<80xi32, #tpu.memory_space<vmem>>) semaphore(%arg22 : memref<!tpu.dma_semaphore, #tpu.memory_space<semaphore_mem>>)
          } else {
          }
          %eq3A_92 = arith.constant 1 : i32
          %eq3A_93 = arith.cmpi eq, %arg0, %eq3A_92 : i32
          %convert_element_type3A_94 = arith.extui %eq3A_93 : i1 to i32
          %cond3A_95 = arith.constant 0 : i32
          %cond3A_96 = arith.cmpi ne, %convert_element_type3A_94, %cond3A_95 : i32
          scf.if %cond3A_96 {
            %dma_start3A = arith.constant 0 : i32
            %dma_start3A_97 = tpu.memref_slice %arg10[%add3A_86, %dma_start3A] : memref<250x80xi32, #tpu.memory_space<vmem>> -> memref<1x80xi32, #tpu.memory_space<vmem>>
            %dma_start3A_98 = tpu.memref_squeeze %dma_start3A_97 : memref<1x80xi32, #tpu.memory_space<vmem>> -> memref<80xi32, #tpu.memory_space<vmem>>
            %dma_start3A_99 = arith.constant 0 : i32
            %dma_start3A_100 = arith.constant 0 : i32
            %dma_start3A_101 = tpu.memref_slice %arg3[%dma_start3A_99, %dma_start3A_100] : memref<10000x80xf32, #tpu.memory_space<hbm>> -> memref<10000x80xf32, #tpu.memory_space<hbm>>
            tpu.enqueue_indirect_dma source(%dma_start3A_101 : memref<10000x80xf32, #tpu.memory_space<hbm>>) target(%arg15 : memref<80x80xf32, #tpu.memory_space<vmem>>) offsets(%dma_start3A_98 : memref<80xi32, #tpu.memory_space<vmem>>) semaphore(%arg22 : memref<!tpu.dma_semaphore, #tpu.memory_space<semaphore_mem>>)
          } else {
          }
        } else {
        }
        "tpu.region"() ({
          %run_scoped3A = tpu.sem_alloc : memref<!tpu.dma_semaphore, #tpu.memory_space<semaphore_mem>>
          %dma_start3A = arith.constant 0 : i32
          %dma_start3A_85 = tpu.memref_slice %arg11[%add3A_37, %dma_start3A] : memref<250x80xi32, #tpu.memory_space<vmem>> -> memref<1x80xi32, #tpu.memory_space<vmem>>
          %dma_start3A_86 = tpu.memref_squeeze %dma_start3A_85 : memref<1x80xi32, #tpu.memory_space<vmem>> -> memref<80xi32, #tpu.memory_space<vmem>>
          %dma_start3A_87 = arith.constant 0 : i32
          %dma_start3A_88 = arith.constant 0 : i32
          %dma_start3A_89 = tpu.memref_slice %arg17[%dma_start3A_87, %dma_start3A_88] : memref<10000x80xf32, #tpu.memory_space<vmem_shared>> -> memref<10000x80xf32, #tpu.memory_space<vmem_shared>>
          tpu.enqueue_indirect_dma source(%arg12 : memref<80x80xf32, #tpu.memory_space<vmem>>) target(%dma_start3A_89 : memref<10000x80xf32, #tpu.memory_space<vmem_shared>>) offsets(%dma_start3A_86 : memref<80xi32, #tpu.memory_space<vmem>>) semaphore(%run_scoped3A : memref<!tpu.dma_semaphore, #tpu.memory_space<semaphore_mem>>) {add = true}
          %dma_wait3A_90 = arith.constant 0 : i32
          %dma_wait3A_91 = tpu.memref_slice %arg11[%add3A_37, %dma_wait3A_90] : memref<250x80xi32, #tpu.memory_space<vmem>> -> memref<1x80xi32, #tpu.memory_space<vmem>>
          %dma_wait3A_92 = tpu.memref_squeeze %dma_wait3A_91 : memref<1x80xi32, #tpu.memory_space<vmem>> -> memref<80xi32, #tpu.memory_space<vmem>>
          %dma_wait3A_93 = arith.constant 0 : i32
          %dma_wait3A_94 = arith.constant 0 : i32
          %dma_wait3A_95 = tpu.memref_slice %arg17[%dma_wait3A_93, %dma_wait3A_94] : memref<10000x80xf32, #tpu.memory_space<vmem_shared>> -> memref<10000x80xf32, #tpu.memory_space<vmem_shared>>
          tpu.wait_indirect_dma semaphore(%run_scoped3A : memref<!tpu.dma_semaphore, #tpu.memory_space<semaphore_mem>>) src(%arg12 : memref<80x80xf32, #tpu.memory_space<vmem>>) dst(%dma_wait3A_95 : memref<10000x80xf32, #tpu.memory_space<vmem_shared>>)
          tpu.yield
        }) : () -> ()
        %mul3A_75 = arith.constant 125 : i32
        %mul3A_76 = arith.muli %arg0, %mul3A_75 : i32
        %ge3A = arith.cmpi sge, %add3A_37, %mul3A_76 : i32
        %add3A_77 = arith.constant 1 : i32
        %add3A_78 = arith.addi %arg0, %add3A_77 : i32
        %mul3A_79 = arith.constant 125 : i32
        %mul3A_80 = arith.muli %add3A_78, %mul3A_79 : i32
        %lt3A_81 = arith.cmpi slt, %add3A_37, %mul3A_80 : i32
        %and3A = arith.andi %ge3A, %lt3A_81 : i1
        %convert_element_type3A_82 = arith.extui %and3A : i1 to i32
        %cond3A_83 = arith.constant 0 : i32
        %cond3A_84 = arith.cmpi ne, %convert_element_type3A_82, %cond3A_83 : i32
        scf.if %cond3A_84 {
          "tpu.region"() ({
            %run_scoped3A = tpu.sem_alloc : memref<!tpu.dma_semaphore, #tpu.memory_space<semaphore_mem>>
            %dma_start3A = arith.constant 0 : i32
            %dma_start3A_85 = tpu.memref_slice %arg11[%add3A_37, %dma_start3A] : memref<250x80xi32, #tpu.memory_space<vmem>> -> memref<1x80xi32, #tpu.memory_space<vmem>>
            %dma_start3A_86 = tpu.memref_squeeze %dma_start3A_85 : memref<1x80xi32, #tpu.memory_space<vmem>> -> memref<80xi32, #tpu.memory_space<vmem>>
            %dma_start3A_87 = arith.constant 0 : i32
            %dma_start3A_88 = arith.constant 0 : i32
            %dma_start3A_89 = tpu.memref_slice %arg18[%dma_start3A_87, %dma_start3A_88] : memref<10000x16xf32, #tpu.memory_space<vmem_shared>> -> memref<10000x16xf32, #tpu.memory_space<vmem_shared>>
            tpu.enqueue_indirect_dma source(%arg16 : memref<80x16xf32, #tpu.memory_space<vmem>>) target(%dma_start3A_89 : memref<10000x16xf32, #tpu.memory_space<vmem_shared>>) offsets(%dma_start3A_86 : memref<80xi32, #tpu.memory_space<vmem>>) semaphore(%run_scoped3A : memref<!tpu.dma_semaphore, #tpu.memory_space<semaphore_mem>>) {add = true}
            %dma_wait3A_90 = arith.constant 0 : i32
            %dma_wait3A_91 = tpu.memref_slice %arg11[%add3A_37, %dma_wait3A_90] : memref<250x80xi32, #tpu.memory_space<vmem>> -> memref<1x80xi32, #tpu.memory_space<vmem>>
            %dma_wait3A_92 = tpu.memref_squeeze %dma_wait3A_91 : memref<1x80xi32, #tpu.memory_space<vmem>> -> memref<80xi32, #tpu.memory_space<vmem>>
            %dma_wait3A_93 = arith.constant 0 : i32
            %dma_wait3A_94 = arith.constant 0 : i32
            %dma_wait3A_95 = tpu.memref_slice %arg18[%dma_wait3A_93, %dma_wait3A_94] : memref<10000x16xf32, #tpu.memory_space<vmem_shared>> -> memref<10000x16xf32, #tpu.memory_space<vmem_shared>>
            tpu.wait_indirect_dma semaphore(%run_scoped3A : memref<!tpu.dma_semaphore, #tpu.memory_space<semaphore_mem>>) src(%arg16 : memref<80x16xf32, #tpu.memory_space<vmem>>) dst(%dma_wait3A_95 : memref<10000x16xf32, #tpu.memory_space<vmem_shared>>)
            tpu.yield
          }) : () -> ()
        } else {
        }
      } else {
      }
      %add3A_42 = arith.constant 1 : i32
      %add3A_43 = arith.addi %mul3A_36, %add3A_42 : i32
      %lt3A_44 = arith.constant 250 : i32
      %lt3A_45 = arith.cmpi slt, %add3A_43, %lt3A_44 : i32
      %convert_element_type3A_46 = arith.extui %lt3A_45 : i1 to i32
      %cond3A_47 = arith.constant 0 : i32
      %cond3A_48 = arith.cmpi ne, %convert_element_type3A_46, %cond3A_47 : i32
      scf.if %cond3A_48 {
        %dma_wait3A = arith.constant 0 : i32
        %dma_wait3A_63 = tpu.memref_slice %arg10[%add3A_43, %dma_wait3A] : memref<250x80xi32, #tpu.memory_space<vmem>> -> memref<1x80xi32, #tpu.memory_space<vmem>>
        %dma_wait3A_64 = tpu.memref_squeeze %dma_wait3A_63 : memref<1x80xi32, #tpu.memory_space<vmem>> -> memref<80xi32, #tpu.memory_space<vmem>>
        %dma_wait3A_65 = arith.constant 0 : i32
        %dma_wait3A_66 = arith.constant 0 : i32
        %dma_wait3A_67 = tpu.memref_slice %arg2[%dma_wait3A_65, %dma_wait3A_66] : memref<10000x80xf32, #tpu.memory_space<hbm>> -> memref<10000x80xf32, #tpu.memory_space<hbm>>
        tpu.wait_indirect_dma semaphore(%arg20 : memref<!tpu.dma_semaphore, #tpu.memory_space<semaphore_mem>>) src(%dma_wait3A_67 : memref<10000x80xf32, #tpu.memory_space<hbm>>) dst(%arg13 : memref<80x80xf32, #tpu.memory_space<vmem>>)
        %add3A_68 = arith.constant 3 : i32
        %add3A_69 = arith.addi %add3A_43, %add3A_68 : i32
        %lt3A_70 = arith.constant 250 : i32
        %lt3A_71 = arith.cmpi slt, %add3A_69, %lt3A_70 : i32
        %convert_element_type3A_72 = arith.extui %lt3A_71 : i1 to i32
        %cond3A_73 = arith.constant 0 : i32
        %cond3A_74 = arith.cmpi ne, %convert_element_type3A_72, %cond3A_73 : i32
        scf.if %cond3A_74 {
          %add3A_85 = arith.constant 3 : i32
          %add3A_86 = arith.addi %add3A_43, %add3A_85 : i32
          %eq3A_87 = arith.constant 0 : i32
          %eq3A_88 = arith.cmpi eq, %arg0, %eq3A_87 : i32
          %convert_element_type3A_89 = arith.extui %eq3A_88 : i1 to i32
          %cond3A_90 = arith.constant 0 : i32
          %cond3A_91 = arith.cmpi ne, %convert_element_type3A_89, %cond3A_90 : i32
          scf.if %cond3A_91 {
            %dma_start3A = arith.constant 0 : i32
            %dma_start3A_97 = tpu.memref_slice %arg10[%add3A_86, %dma_start3A] : memref<250x80xi32, #tpu.memory_space<vmem>> -> memref<1x80xi32, #tpu.memory_space<vmem>>
            %dma_start3A_98 = tpu.memref_squeeze %dma_start3A_97 : memref<1x80xi32, #tpu.memory_space<vmem>> -> memref<80xi32, #tpu.memory_space<vmem>>
            %dma_start3A_99 = arith.constant 0 : i32
            %dma_start3A_100 = arith.constant 0 : i32
            %dma_start3A_101 = tpu.memref_slice %arg2[%dma_start3A_99, %dma_start3A_100] : memref<10000x80xf32, #tpu.memory_space<hbm>> -> memref<10000x80xf32, #tpu.memory_space<hbm>>
            tpu.enqueue_indirect_dma source(%dma_start3A_101 : memref<10000x80xf32, #tpu.memory_space<hbm>>) target(%arg12 : memref<80x80xf32, #tpu.memory_space<vmem>>) offsets(%dma_start3A_98 : memref<80xi32, #tpu.memory_space<vmem>>) semaphore(%arg19 : memref<!tpu.dma_semaphore, #tpu.memory_space<semaphore_mem>>)
          } else {
          }
          %eq3A_92 = arith.constant 1 : i32
          %eq3A_93 = arith.cmpi eq, %arg0, %eq3A_92 : i32
          %convert_element_type3A_94 = arith.extui %eq3A_93 : i1 to i32
          %cond3A_95 = arith.constant 0 : i32
          %cond3A_96 = arith.cmpi ne, %convert_element_type3A_94, %cond3A_95 : i32
          scf.if %cond3A_96 {
            %dma_start3A = arith.constant 0 : i32
            %dma_start3A_97 = tpu.memref_slice %arg10[%add3A_86, %dma_start3A] : memref<250x80xi32, #tpu.memory_space<vmem>> -> memref<1x80xi32, #tpu.memory_space<vmem>>
            %dma_start3A_98 = tpu.memref_squeeze %dma_start3A_97 : memref<1x80xi32, #tpu.memory_space<vmem>> -> memref<80xi32, #tpu.memory_space<vmem>>
            %dma_start3A_99 = arith.constant 0 : i32
            %dma_start3A_100 = arith.constant 0 : i32
            %dma_start3A_101 = tpu.memref_slice %arg3[%dma_start3A_99, %dma_start3A_100] : memref<10000x80xf32, #tpu.memory_space<hbm>> -> memref<10000x80xf32, #tpu.memory_space<hbm>>
            tpu.enqueue_indirect_dma source(%dma_start3A_101 : memref<10000x80xf32, #tpu.memory_space<hbm>>) target(%arg12 : memref<80x80xf32, #tpu.memory_space<vmem>>) offsets(%dma_start3A_98 : memref<80xi32, #tpu.memory_space<vmem>>) semaphore(%arg19 : memref<!tpu.dma_semaphore, #tpu.memory_space<semaphore_mem>>)
          } else {
          }
        } else {
        }
        "tpu.region"() ({
          %run_scoped3A = tpu.sem_alloc : memref<!tpu.dma_semaphore, #tpu.memory_space<semaphore_mem>>
          %dma_start3A = arith.constant 0 : i32
          %dma_start3A_85 = tpu.memref_slice %arg11[%add3A_43, %dma_start3A] : memref<250x80xi32, #tpu.memory_space<vmem>> -> memref<1x80xi32, #tpu.memory_space<vmem>>
          %dma_start3A_86 = tpu.memref_squeeze %dma_start3A_85 : memref<1x80xi32, #tpu.memory_space<vmem>> -> memref<80xi32, #tpu.memory_space<vmem>>
          %dma_start3A_87 = arith.constant 0 : i32
          %dma_start3A_88 = arith.constant 0 : i32
          %dma_start3A_89 = tpu.memref_slice %arg17[%dma_start3A_87, %dma_start3A_88] : memref<10000x80xf32, #tpu.memory_space<vmem_shared>> -> memref<10000x80xf32, #tpu.memory_space<vmem_shared>>
          tpu.enqueue_indirect_dma source(%arg13 : memref<80x80xf32, #tpu.memory_space<vmem>>) target(%dma_start3A_89 : memref<10000x80xf32, #tpu.memory_space<vmem_shared>>) offsets(%dma_start3A_86 : memref<80xi32, #tpu.memory_space<vmem>>) semaphore(%run_scoped3A : memref<!tpu.dma_semaphore, #tpu.memory_space<semaphore_mem>>) {add = true}
          %dma_wait3A_90 = arith.constant 0 : i32
          %dma_wait3A_91 = tpu.memref_slice %arg11[%add3A_43, %dma_wait3A_90] : memref<250x80xi32, #tpu.memory_space<vmem>> -> memref<1x80xi32, #tpu.memory_space<vmem>>
          %dma_wait3A_92 = tpu.memref_squeeze %dma_wait3A_91 : memref<1x80xi32, #tpu.memory_space<vmem>> -> memref<80xi32, #tpu.memory_space<vmem>>
          %dma_wait3A_93 = arith.constant 0 : i32
          %dma_wait3A_94 = arith.constant 0 : i32
          %dma_wait3A_95 = tpu.memref_slice %arg17[%dma_wait3A_93, %dma_wait3A_94] : memref<10000x80xf32, #tpu.memory_space<vmem_shared>> -> memref<10000x80xf32, #tpu.memory_space<vmem_shared>>
          tpu.wait_indirect_dma semaphore(%run_scoped3A : memref<!tpu.dma_semaphore, #tpu.memory_space<semaphore_mem>>) src(%arg13 : memref<80x80xf32, #tpu.memory_space<vmem>>) dst(%dma_wait3A_95 : memref<10000x80xf32, #tpu.memory_space<vmem_shared>>)
          tpu.yield
        }) : () -> ()
        %mul3A_75 = arith.constant 125 : i32
        %mul3A_76 = arith.muli %arg0, %mul3A_75 : i32
        %ge3A = arith.cmpi sge, %add3A_43, %mul3A_76 : i32
        %add3A_77 = arith.constant 1 : i32
        %add3A_78 = arith.addi %arg0, %add3A_77 : i32
        %mul3A_79 = arith.constant 125 : i32
        %mul3A_80 = arith.muli %add3A_78, %mul3A_79 : i32
        %lt3A_81 = arith.cmpi slt, %add3A_43, %mul3A_80 : i32
        %and3A = arith.andi %ge3A, %lt3A_81 : i1
        %convert_element_type3A_82 = arith.extui %and3A : i1 to i32
        %cond3A_83 = arith.constant 0 : i32
        %cond3A_84 = arith.cmpi ne, %convert_element_type3A_82, %cond3A_83 : i32
        scf.if %cond3A_84 {
          "tpu.region"() ({
            %run_scoped3A = tpu.sem_alloc : memref<!tpu.dma_semaphore, #tpu.memory_space<semaphore_mem>>
            %dma_start3A = arith.constant 0 : i32
            %dma_start3A_85 = tpu.memref_slice %arg11[%add3A_43, %dma_start3A] : memref<250x80xi32, #tpu.memory_space<vmem>> -> memref<1x80xi32, #tpu.memory_space<vmem>>
            %dma_start3A_86 = tpu.memref_squeeze %dma_start3A_85 : memref<1x80xi32, #tpu.memory_space<vmem>> -> memref<80xi32, #tpu.memory_space<vmem>>
            %dma_start3A_87 = arith.constant 0 : i32
            %dma_start3A_88 = arith.constant 0 : i32
            %dma_start3A_89 = tpu.memref_slice %arg18[%dma_start3A_87, %dma_start3A_88] : memref<10000x16xf32, #tpu.memory_space<vmem_shared>> -> memref<10000x16xf32, #tpu.memory_space<vmem_shared>>
            tpu.enqueue_indirect_dma source(%arg16 : memref<80x16xf32, #tpu.memory_space<vmem>>) target(%dma_start3A_89 : memref<10000x16xf32, #tpu.memory_space<vmem_shared>>) offsets(%dma_start3A_86 : memref<80xi32, #tpu.memory_space<vmem>>) semaphore(%run_scoped3A : memref<!tpu.dma_semaphore, #tpu.memory_space<semaphore_mem>>) {add = true}
            %dma_wait3A_90 = arith.constant 0 : i32
            %dma_wait3A_91 = tpu.memref_slice %arg11[%add3A_43, %dma_wait3A_90] : memref<250x80xi32, #tpu.memory_space<vmem>> -> memref<1x80xi32, #tpu.memory_space<vmem>>
            %dma_wait3A_92 = tpu.memref_squeeze %dma_wait3A_91 : memref<1x80xi32, #tpu.memory_space<vmem>> -> memref<80xi32, #tpu.memory_space<vmem>>
            %dma_wait3A_93 = arith.constant 0 : i32
            %dma_wait3A_94 = arith.constant 0 : i32
            %dma_wait3A_95 = tpu.memref_slice %arg18[%dma_wait3A_93, %dma_wait3A_94] : memref<10000x16xf32, #tpu.memory_space<vmem_shared>> -> memref<10000x16xf32, #tpu.memory_space<vmem_shared>>
            tpu.wait_indirect_dma semaphore(%run_scoped3A : memref<!tpu.dma_semaphore, #tpu.memory_space<semaphore_mem>>) src(%arg16 : memref<80x16xf32, #tpu.memory_space<vmem>>) dst(%dma_wait3A_95 : memref<10000x16xf32, #tpu.memory_space<vmem_shared>>)
            tpu.yield
          }) : () -> ()
        } else {
        }
      } else {
      }
      %add3A_49 = arith.constant 2 : i32
      %add3A_50 = arith.addi %mul3A_36, %add3A_49 : i32
      %lt3A_51 = arith.constant 250 : i32
      %lt3A_52 = arith.cmpi slt, %add3A_50, %lt3A_51 : i32
      %convert_element_type3A_53 = arith.extui %lt3A_52 : i1 to i32
      %cond3A_54 = arith.constant 0 : i32
      %cond3A_55 = arith.cmpi ne, %convert_element_type3A_53, %cond3A_54 : i32
      scf.if %cond3A_55 {
        %dma_wait3A = arith.constant 0 : i32
        %dma_wait3A_63 = tpu.memref_slice %arg10[%add3A_50, %dma_wait3A] : memref<250x80xi32, #tpu.memory_space<vmem>> -> memref<1x80xi32, #tpu.memory_space<vmem>>
        %dma_wait3A_64 = tpu.memref_squeeze %dma_wait3A_63 : memref<1x80xi32, #tpu.memory_space<vmem>> -> memref<80xi32, #tpu.memory_space<vmem>>
        %dma_wait3A_65 = arith.constant 0 : i32
        %dma_wait3A_66 = arith.constant 0 : i32
        %dma_wait3A_67 = tpu.memref_slice %arg2[%dma_wait3A_65, %dma_wait3A_66] : memref<10000x80xf32, #tpu.memory_space<hbm>> -> memref<10000x80xf32, #tpu.memory_space<hbm>>
        tpu.wait_indirect_dma semaphore(%arg21 : memref<!tpu.dma_semaphore, #tpu.memory_space<semaphore_mem>>) src(%dma_wait3A_67 : memref<10000x80xf32, #tpu.memory_space<hbm>>) dst(%arg14 : memref<80x80xf32, #tpu.memory_space<vmem>>)
        %add3A_68 = arith.constant 3 : i32
        %add3A_69 = arith.addi %add3A_50, %add3A_68 : i32
        %lt3A_70 = arith.constant 250 : i32
        %lt3A_71 = arith.cmpi slt, %add3A_69, %lt3A_70 : i32
        %convert_element_type3A_72 = arith.extui %lt3A_71 : i1 to i32
        %cond3A_73 = arith.constant 0 : i32
        %cond3A_74 = arith.cmpi ne, %convert_element_type3A_72, %cond3A_73 : i32
        scf.if %cond3A_74 {
          %add3A_85 = arith.constant 3 : i32
          %add3A_86 = arith.addi %add3A_50, %add3A_85 : i32
          %eq3A_87 = arith.constant 0 : i32
          %eq3A_88 = arith.cmpi eq, %arg0, %eq3A_87 : i32
          %convert_element_type3A_89 = arith.extui %eq3A_88 : i1 to i32
          %cond3A_90 = arith.constant 0 : i32
          %cond3A_91 = arith.cmpi ne, %convert_element_type3A_89, %cond3A_90 : i32
          scf.if %cond3A_91 {
            %dma_start3A = arith.constant 0 : i32
            %dma_start3A_97 = tpu.memref_slice %arg10[%add3A_86, %dma_start3A] : memref<250x80xi32, #tpu.memory_space<vmem>> -> memref<1x80xi32, #tpu.memory_space<vmem>>
            %dma_start3A_98 = tpu.memref_squeeze %dma_start3A_97 : memref<1x80xi32, #tpu.memory_space<vmem>> -> memref<80xi32, #tpu.memory_space<vmem>>
            %dma_start3A_99 = arith.constant 0 : i32
            %dma_start3A_100 = arith.constant 0 : i32
            %dma_start3A_101 = tpu.memref_slice %arg2[%dma_start3A_99, %dma_start3A_100] : memref<10000x80xf32, #tpu.memory_space<hbm>> -> memref<10000x80xf32, #tpu.memory_space<hbm>>
            tpu.enqueue_indirect_dma source(%dma_start3A_101 : memref<10000x80xf32, #tpu.memory_space<hbm>>) target(%arg13 : memref<80x80xf32, #tpu.memory_space<vmem>>) offsets(%dma_start3A_98 : memref<80xi32, #tpu.memory_space<vmem>>) semaphore(%arg20 : memref<!tpu.dma_semaphore, #tpu.memory_space<semaphore_mem>>)
          } else {
          }
          %eq3A_92 = arith.constant 1 : i32
          %eq3A_93 = arith.cmpi eq, %arg0, %eq3A_92 : i32
          %convert_element_type3A_94 = arith.extui %eq3A_93 : i1 to i32
          %cond3A_95 = arith.constant 0 : i32
          %cond3A_96 = arith.cmpi ne, %convert_element_type3A_94, %cond3A_95 : i32
          scf.if %cond3A_96 {
            %dma_start3A = arith.constant 0 : i32
            %dma_start3A_97 = tpu.memref_slice %arg10[%add3A_86, %dma_start3A] : memref<250x80xi32, #tpu.memory_space<vmem>> -> memref<1x80xi32, #tpu.memory_space<vmem>>
            %dma_start3A_98 = tpu.memref_squeeze %dma_start3A_97 : memref<1x80xi32, #tpu.memory_space<vmem>> -> memref<80xi32, #tpu.memory_space<vmem>>
            %dma_start3A_99 = arith.constant 0 : i32
            %dma_start3A_100 = arith.constant 0 : i32
            %dma_start3A_101 = tpu.memref_slice %arg3[%dma_start3A_99, %dma_start3A_100] : memref<10000x80xf32, #tpu.memory_space<hbm>> -> memref<10000x80xf32, #tpu.memory_space<hbm>>
            tpu.enqueue_indirect_dma source(%dma_start3A_101 : memref<10000x80xf32, #tpu.memory_space<hbm>>) target(%arg13 : memref<80x80xf32, #tpu.memory_space<vmem>>) offsets(%dma_start3A_98 : memref<80xi32, #tpu.memory_space<vmem>>) semaphore(%arg20 : memref<!tpu.dma_semaphore, #tpu.memory_space<semaphore_mem>>)
          } else {
          }
        } else {
        }
        "tpu.region"() ({
          %run_scoped3A = tpu.sem_alloc : memref<!tpu.dma_semaphore, #tpu.memory_space<semaphore_mem>>
          %dma_start3A = arith.constant 0 : i32
          %dma_start3A_85 = tpu.memref_slice %arg11[%add3A_50, %dma_start3A] : memref<250x80xi32, #tpu.memory_space<vmem>> -> memref<1x80xi32, #tpu.memory_space<vmem>>
          %dma_start3A_86 = tpu.memref_squeeze %dma_start3A_85 : memref<1x80xi32, #tpu.memory_space<vmem>> -> memref<80xi32, #tpu.memory_space<vmem>>
          %dma_start3A_87 = arith.constant 0 : i32
          %dma_start3A_88 = arith.constant 0 : i32
          %dma_start3A_89 = tpu.memref_slice %arg17[%dma_start3A_87, %dma_start3A_88] : memref<10000x80xf32, #tpu.memory_space<vmem_shared>> -> memref<10000x80xf32, #tpu.memory_space<vmem_shared>>
          tpu.enqueue_indirect_dma source(%arg14 : memref<80x80xf32, #tpu.memory_space<vmem>>) target(%dma_start3A_89 : memref<10000x80xf32, #tpu.memory_space<vmem_shared>>) offsets(%dma_start3A_86 : memref<80xi32, #tpu.memory_space<vmem>>) semaphore(%run_scoped3A : memref<!tpu.dma_semaphore, #tpu.memory_space<semaphore_mem>>) {add = true}
          %dma_wait3A_90 = arith.constant 0 : i32
          %dma_wait3A_91 = tpu.memref_slice %arg11[%add3A_50, %dma_wait3A_90] : memref<250x80xi32, #tpu.memory_space<vmem>> -> memref<1x80xi32, #tpu.memory_space<vmem>>
          %dma_wait3A_92 = tpu.memref_squeeze %dma_wait3A_91 : memref<1x80xi32, #tpu.memory_space<vmem>> -> memref<80xi32, #tpu.memory_space<vmem>>
          %dma_wait3A_93 = arith.constant 0 : i32
          %dma_wait3A_94 = arith.constant 0 : i32
          %dma_wait3A_95 = tpu.memref_slice %arg17[%dma_wait3A_93, %dma_wait3A_94] : memref<10000x80xf32, #tpu.memory_space<vmem_shared>> -> memref<10000x80xf32, #tpu.memory_space<vmem_shared>>
          tpu.wait_indirect_dma semaphore(%run_scoped3A : memref<!tpu.dma_semaphore, #tpu.memory_space<semaphore_mem>>) src(%arg14 : memref<80x80xf32, #tpu.memory_space<vmem>>) dst(%dma_wait3A_95 : memref<10000x80xf32, #tpu.memory_space<vmem_shared>>)
          tpu.yield
        }) : () -> ()
        %mul3A_75 = arith.constant 125 : i32
        %mul3A_76 = arith.muli %arg0, %mul3A_75 : i32
        %ge3A = arith.cmpi sge, %add3A_50, %mul3A_76 : i32
        %add3A_77 = arith.constant 1 : i32
        %add3A_78 = arith.addi %arg0, %add3A_77 : i32
        %mul3A_79 = arith.constant 125 : i32
        %mul3A_80 = arith.muli %add3A_78, %mul3A_79 : i32
        %lt3A_81 = arith.cmpi slt, %add3A_50, %mul3A_80 : i32
        %and3A = arith.andi %ge3A, %lt3A_81 : i1
        %convert_element_type3A_82 = arith.extui %and3A : i1 to i32
        %cond3A_83 = arith.constant 0 : i32
        %cond3A_84 = arith.cmpi ne, %convert_element_type3A_82, %cond3A_83 : i32
        scf.if %cond3A_84 {
          "tpu.region"() ({
            %run_scoped3A = tpu.sem_alloc : memref<!tpu.dma_semaphore, #tpu.memory_space<semaphore_mem>>
            %dma_start3A = arith.constant 0 : i32
            %dma_start3A_85 = tpu.memref_slice %arg11[%add3A_50, %dma_start3A] : memref<250x80xi32, #tpu.memory_space<vmem>> -> memref<1x80xi32, #tpu.memory_space<vmem>>
            %dma_start3A_86 = tpu.memref_squeeze %dma_start3A_85 : memref<1x80xi32, #tpu.memory_space<vmem>> -> memref<80xi32, #tpu.memory_space<vmem>>
            %dma_start3A_87 = arith.constant 0 : i32
            %dma_start3A_88 = arith.constant 0 : i32
            %dma_start3A_89 = tpu.memref_slice %arg18[%dma_start3A_87, %dma_start3A_88] : memref<10000x16xf32, #tpu.memory_space<vmem_shared>> -> memref<10000x16xf32, #tpu.memory_space<vmem_shared>>
            tpu.enqueue_indirect_dma source(%arg16 : memref<80x16xf32, #tpu.memory_space<vmem>>) target(%dma_start3A_89 : memref<10000x16xf32, #tpu.memory_space<vmem_shared>>) offsets(%dma_start3A_86 : memref<80xi32, #tpu.memory_space<vmem>>) semaphore(%run_scoped3A : memref<!tpu.dma_semaphore, #tpu.memory_space<semaphore_mem>>) {add = true}
            %dma_wait3A_90 = arith.constant 0 : i32
            %dma_wait3A_91 = tpu.memref_slice %arg11[%add3A_50, %dma_wait3A_90] : memref<250x80xi32, #tpu.memory_space<vmem>> -> memref<1x80xi32, #tpu.memory_space<vmem>>
            %dma_wait3A_92 = tpu.memref_squeeze %dma_wait3A_91 : memref<1x80xi32, #tpu.memory_space<vmem>> -> memref<80xi32, #tpu.memory_space<vmem>>
            %dma_wait3A_93 = arith.constant 0 : i32
            %dma_wait3A_94 = arith.constant 0 : i32
            %dma_wait3A_95 = tpu.memref_slice %arg18[%dma_wait3A_93, %dma_wait3A_94] : memref<10000x16xf32, #tpu.memory_space<vmem_shared>> -> memref<10000x16xf32, #tpu.memory_space<vmem_shared>>
            tpu.wait_indirect_dma semaphore(%run_scoped3A : memref<!tpu.dma_semaphore, #tpu.memory_space<semaphore_mem>>) src(%arg16 : memref<80x16xf32, #tpu.memory_space<vmem>>) dst(%dma_wait3A_95 : memref<10000x16xf32, #tpu.memory_space<vmem_shared>>)
            tpu.yield
          }) : () -> ()
        } else {
        }
      } else {
      }
      %add3A_56 = arith.constant 3 : i32
      %add3A_57 = arith.addi %mul3A_36, %add3A_56 : i32
      %lt3A_58 = arith.constant 250 : i32
      %lt3A_59 = arith.cmpi slt, %add3A_57, %lt3A_58 : i32
      %convert_element_type3A_60 = arith.extui %lt3A_59 : i1 to i32
      %cond3A_61 = arith.constant 0 : i32
      %cond3A_62 = arith.cmpi ne, %convert_element_type3A_60, %cond3A_61 : i32
      scf.if %cond3A_62 {
        %dma_wait3A = arith.constant 0 : i32
        %dma_wait3A_63 = tpu.memref_slice %arg10[%add3A_57, %dma_wait3A] : memref<250x80xi32, #tpu.memory_space<vmem>> -> memref<1x80xi32, #tpu.memory_space<vmem>>
        %dma_wait3A_64 = tpu.memref_squeeze %dma_wait3A_63 : memref<1x80xi32, #tpu.memory_space<vmem>> -> memref<80xi32, #tpu.memory_space<vmem>>
        %dma_wait3A_65 = arith.constant 0 : i32
        %dma_wait3A_66 = arith.constant 0 : i32
        %dma_wait3A_67 = tpu.memref_slice %arg2[%dma_wait3A_65, %dma_wait3A_66] : memref<10000x80xf32, #tpu.memory_space<hbm>> -> memref<10000x80xf32, #tpu.memory_space<hbm>>
        tpu.wait_indirect_dma semaphore(%arg22 : memref<!tpu.dma_semaphore, #tpu.memory_space<semaphore_mem>>) src(%dma_wait3A_67 : memref<10000x80xf32, #tpu.memory_space<hbm>>) dst(%arg15 : memref<80x80xf32, #tpu.memory_space<vmem>>)
        %add3A_68 = arith.constant 3 : i32
        %add3A_69 = arith.addi %add3A_57, %add3A_68 : i32
        %lt3A_70 = arith.constant 250 : i32
        %lt3A_71 = arith.cmpi slt, %add3A_69, %lt3A_70 : i32
        %convert_element_type3A_72 = arith.extui %lt3A_71 : i1 to i32
        %cond3A_73 = arith.constant 0 : i32
        %cond3A_74 = arith.cmpi ne, %convert_element_type3A_72, %cond3A_73 : i32
        scf.if %cond3A_74 {
          %add3A_85 = arith.constant 3 : i32
          %add3A_86 = arith.addi %add3A_57, %add3A_85 : i32
          %eq3A_87 = arith.constant 0 : i32
          %eq3A_88 = arith.cmpi eq, %arg0, %eq3A_87 : i32
          %convert_element_type3A_89 = arith.extui %eq3A_88 : i1 to i32
          %cond3A_90 = arith.constant 0 : i32
          %cond3A_91 = arith.cmpi ne, %convert_element_type3A_89, %cond3A_90 : i32
          scf.if %cond3A_91 {
            %dma_start3A = arith.constant 0 : i32
            %dma_start3A_97 = tpu.memref_slice %arg10[%add3A_86, %dma_start3A] : memref<250x80xi32, #tpu.memory_space<vmem>> -> memref<1x80xi32, #tpu.memory_space<vmem>>
            %dma_start3A_98 = tpu.memref_squeeze %dma_start3A_97 : memref<1x80xi32, #tpu.memory_space<vmem>> -> memref<80xi32, #tpu.memory_space<vmem>>
            %dma_start3A_99 = arith.constant 0 : i32
            %dma_start3A_100 = arith.constant 0 : i32
            %dma_start3A_101 = tpu.memref_slice %arg2[%dma_start3A_99, %dma_start3A_100] : memref<10000x80xf32, #tpu.memory_space<hbm>> -> memref<10000x80xf32, #tpu.memory_space<hbm>>
            tpu.enqueue_indirect_dma source(%dma_start3A_101 : memref<10000x80xf32, #tpu.memory_space<hbm>>) target(%arg14 : memref<80x80xf32, #tpu.memory_space<vmem>>) offsets(%dma_start3A_98 : memref<80xi32, #tpu.memory_space<vmem>>) semaphore(%arg21 : memref<!tpu.dma_semaphore, #tpu.memory_space<semaphore_mem>>)
          } else {
          }
          %eq3A_92 = arith.constant 1 : i32
          %eq3A_93 = arith.cmpi eq, %arg0, %eq3A_92 : i32
          %convert_element_type3A_94 = arith.extui %eq3A_93 : i1 to i32
          %cond3A_95 = arith.constant 0 : i32
          %cond3A_96 = arith.cmpi ne, %convert_element_type3A_94, %cond3A_95 : i32
          scf.if %cond3A_96 {
            %dma_start3A = arith.constant 0 : i32
            %dma_start3A_97 = tpu.memref_slice %arg10[%add3A_86, %dma_start3A] : memref<250x80xi32, #tpu.memory_space<vmem>> -> memref<1x80xi32, #tpu.memory_space<vmem>>
            %dma_start3A_98 = tpu.memref_squeeze %dma_start3A_97 : memref<1x80xi32, #tpu.memory_space<vmem>> -> memref<80xi32, #tpu.memory_space<vmem>>
            %dma_start3A_99 = arith.constant 0 : i32
            %dma_start3A_100 = arith.constant 0 : i32
            %dma_start3A_101 = tpu.memref_slice %arg3[%dma_start3A_99, %dma_start3A_100] : memref<10000x80xf32, #tpu.memory_space<hbm>> -> memref<10000x80xf32, #tpu.memory_space<hbm>>
            tpu.enqueue_indirect_dma source(%dma_start3A_101 : memref<10000x80xf32, #tpu.memory_space<hbm>>) target(%arg14 : memref<80x80xf32, #tpu.memory_space<vmem>>) offsets(%dma_start3A_98 : memref<80xi32, #tpu.memory_space<vmem>>) semaphore(%arg21 : memref<!tpu.dma_semaphore, #tpu.memory_space<semaphore_mem>>)
          } else {
          }
        } else {
        }
        "tpu.region"() ({
          %run_scoped3A = tpu.sem_alloc : memref<!tpu.dma_semaphore, #tpu.memory_space<semaphore_mem>>
          %dma_start3A = arith.constant 0 : i32
          %dma_start3A_85 = tpu.memref_slice %arg11[%add3A_57, %dma_start3A] : memref<250x80xi32, #tpu.memory_space<vmem>> -> memref<1x80xi32, #tpu.memory_space<vmem>>
          %dma_start3A_86 = tpu.memref_squeeze %dma_start3A_85 : memref<1x80xi32, #tpu.memory_space<vmem>> -> memref<80xi32, #tpu.memory_space<vmem>>
          %dma_start3A_87 = arith.constant 0 : i32
          %dma_start3A_88 = arith.constant 0 : i32
          %dma_start3A_89 = tpu.memref_slice %arg17[%dma_start3A_87, %dma_start3A_88] : memref<10000x80xf32, #tpu.memory_space<vmem_shared>> -> memref<10000x80xf32, #tpu.memory_space<vmem_shared>>
          tpu.enqueue_indirect_dma source(%arg15 : memref<80x80xf32, #tpu.memory_space<vmem>>) target(%dma_start3A_89 : memref<10000x80xf32, #tpu.memory_space<vmem_shared>>) offsets(%dma_start3A_86 : memref<80xi32, #tpu.memory_space<vmem>>) semaphore(%run_scoped3A : memref<!tpu.dma_semaphore, #tpu.memory_space<semaphore_mem>>) {add = true}
          %dma_wait3A_90 = arith.constant 0 : i32
          %dma_wait3A_91 = tpu.memref_slice %arg11[%add3A_57, %dma_wait3A_90] : memref<250x80xi32, #tpu.memory_space<vmem>> -> memref<1x80xi32, #tpu.memory_space<vmem>>
          %dma_wait3A_92 = tpu.memref_squeeze %dma_wait3A_91 : memref<1x80xi32, #tpu.memory_space<vmem>> -> memref<80xi32, #tpu.memory_space<vmem>>
          %dma_wait3A_93 = arith.constant 0 : i32
          %dma_wait3A_94 = arith.constant 0 : i32
          %dma_wait3A_95 = tpu.memref_slice %arg17[%dma_wait3A_93, %dma_wait3A_94] : memref<10000x80xf32, #tpu.memory_space<vmem_shared>> -> memref<10000x80xf32, #tpu.memory_space<vmem_shared>>
          tpu.wait_indirect_dma semaphore(%run_scoped3A : memref<!tpu.dma_semaphore, #tpu.memory_space<semaphore_mem>>) src(%arg15 : memref<80x80xf32, #tpu.memory_space<vmem>>) dst(%dma_wait3A_95 : memref<10000x80xf32, #tpu.memory_space<vmem_shared>>)
          tpu.yield
        }) : () -> ()
        %mul3A_75 = arith.constant 125 : i32
        %mul3A_76 = arith.muli %arg0, %mul3A_75 : i32
        %ge3A = arith.cmpi sge, %add3A_57, %mul3A_76 : i32
        %add3A_77 = arith.constant 1 : i32
        %add3A_78 = arith.addi %arg0, %add3A_77 : i32
        %mul3A_79 = arith.constant 125 : i32
        %mul3A_80 = arith.muli %add3A_78, %mul3A_79 : i32
        %lt3A_81 = arith.cmpi slt, %add3A_57, %mul3A_80 : i32
        %and3A = arith.andi %ge3A, %lt3A_81 : i1
        %convert_element_type3A_82 = arith.extui %and3A : i1 to i32
        %cond3A_83 = arith.constant 0 : i32
        %cond3A_84 = arith.cmpi ne, %convert_element_type3A_82, %cond3A_83 : i32
        scf.if %cond3A_84 {
          "tpu.region"() ({
            %run_scoped3A = tpu.sem_alloc : memref<!tpu.dma_semaphore, #tpu.memory_space<semaphore_mem>>
            %dma_start3A = arith.constant 0 : i32
            %dma_start3A_85 = tpu.memref_slice %arg11[%add3A_57, %dma_start3A] : memref<250x80xi32, #tpu.memory_space<vmem>> -> memref<1x80xi32, #tpu.memory_space<vmem>>
            %dma_start3A_86 = tpu.memref_squeeze %dma_start3A_85 : memref<1x80xi32, #tpu.memory_space<vmem>> -> memref<80xi32, #tpu.memory_space<vmem>>
            %dma_start3A_87 = arith.constant 0 : i32
            %dma_start3A_88 = arith.constant 0 : i32
            %dma_start3A_89 = tpu.memref_slice %arg18[%dma_start3A_87, %dma_start3A_88] : memref<10000x16xf32, #tpu.memory_space<vmem_shared>> -> memref<10000x16xf32, #tpu.memory_space<vmem_shared>>
            tpu.enqueue_indirect_dma source(%arg16 : memref<80x16xf32, #tpu.memory_space<vmem>>) target(%dma_start3A_89 : memref<10000x16xf32, #tpu.memory_space<vmem_shared>>) offsets(%dma_start3A_86 : memref<80xi32, #tpu.memory_space<vmem>>) semaphore(%run_scoped3A : memref<!tpu.dma_semaphore, #tpu.memory_space<semaphore_mem>>) {add = true}
            %dma_wait3A_90 = arith.constant 0 : i32
            %dma_wait3A_91 = tpu.memref_slice %arg11[%add3A_57, %dma_wait3A_90] : memref<250x80xi32, #tpu.memory_space<vmem>> -> memref<1x80xi32, #tpu.memory_space<vmem>>
            %dma_wait3A_92 = tpu.memref_squeeze %dma_wait3A_91 : memref<1x80xi32, #tpu.memory_space<vmem>> -> memref<80xi32, #tpu.memory_space<vmem>>
            %dma_wait3A_93 = arith.constant 0 : i32
            %dma_wait3A_94 = arith.constant 0 : i32
            %dma_wait3A_95 = tpu.memref_slice %arg18[%dma_wait3A_93, %dma_wait3A_94] : memref<10000x16xf32, #tpu.memory_space<vmem_shared>> -> memref<10000x16xf32, #tpu.memory_space<vmem_shared>>
            tpu.wait_indirect_dma semaphore(%run_scoped3A : memref<!tpu.dma_semaphore, #tpu.memory_space<semaphore_mem>>) src(%arg16 : memref<80x16xf32, #tpu.memory_space<vmem>>) dst(%dma_wait3A_95 : memref<10000x16xf32, #tpu.memory_space<vmem_shared>>)
            tpu.yield
          }) : () -> ()
        } else {
        }
      } else {
      }
    }
    %scan3A_32 = arith.constant 63 : i32
    %barrier3A_33 = arith.constant 0 : index
    tpu.barrier barrier_id(%barrier3A_33)
    "tpu.region"() ({
      %run_scoped3A = tpu.sem_alloc : memref<!tpu.dma_semaphore, #tpu.memory_space<semaphore_mem>>
      %dma_start3A = arith.constant 0 : i32
      %dma_start3A_34 = tpu.memref_slice %arg9[%arg0, %mul3A_0, %dma_start3A] : memref<2x10000x128xf32, #tpu.memory_space<hbm>> -> memref<1x625x80xf32, #tpu.memory_space<hbm>>
      %dma_start3A_35 = tpu.memref_squeeze %dma_start3A_34 : memref<1x625x80xf32, #tpu.memory_space<hbm>> -> memref<625x80xf32, #tpu.memory_space<hbm>>
      %dma_start3A_36 = arith.constant 0 : i32
      %dma_start3A_37 = tpu.memref_slice %arg17[%mul3A_0, %dma_start3A_36] : memref<10000x80xf32, #tpu.memory_space<vmem_shared>> -> memref<625x80xf32, #tpu.memory_space<vmem_shared>>
      tpu.enqueue_dma source(%dma_start3A_37 : memref<625x80xf32, #tpu.memory_space<vmem_shared>>) target(%dma_start3A_35 : memref<625x80xf32, #tpu.memory_space<hbm>>) target_semaphore(%run_scoped3A : memref<!tpu.dma_semaphore, #tpu.memory_space<semaphore_mem>>)
      %dma_wait3A = arith.constant 0 : i32
      %dma_wait3A_38 = tpu.memref_slice %arg9[%arg0, %mul3A_0, %dma_wait3A] : memref<2x10000x128xf32, #tpu.memory_space<hbm>> -> memref<1x625x80xf32, #tpu.memory_space<hbm>>
      %dma_wait3A_39 = tpu.memref_squeeze %dma_wait3A_38 : memref<1x625x80xf32, #tpu.memory_space<hbm>> -> memref<625x80xf32, #tpu.memory_space<hbm>>
      %dma_wait3A_40 = arith.constant 0 : i32
      %dma_wait3A_41 = tpu.memref_slice %arg17[%mul3A_0, %dma_wait3A_40] : memref<10000x80xf32, #tpu.memory_space<vmem_shared>> -> memref<625x80xf32, #tpu.memory_space<vmem_shared>>
      tpu.wait_dma2 semaphore(%run_scoped3A : memref<!tpu.dma_semaphore, #tpu.memory_space<semaphore_mem>>) src(%dma_wait3A_41 : memref<625x80xf32, #tpu.memory_space<vmem_shared>>) dst(%dma_wait3A_39 : memref<625x80xf32, #tpu.memory_space<hbm>>)
      tpu.yield
    }) : () -> ()
    "tpu.region"() ({
      %run_scoped3A = tpu.sem_alloc : memref<!tpu.dma_semaphore, #tpu.memory_space<semaphore_mem>>
      %dma_start3A = arith.constant 80 : i32
      %dma_start3A_34 = tpu.memref_slice %arg9[%arg0, %mul3A_0, %dma_start3A] : memref<2x10000x128xf32, #tpu.memory_space<hbm>> -> memref<1x625x16xf32, #tpu.memory_space<hbm>>
      %dma_start3A_35 = tpu.memref_squeeze %dma_start3A_34 : memref<1x625x16xf32, #tpu.memory_space<hbm>> -> memref<625x16xf32, #tpu.memory_space<hbm>>
      %dma_start3A_36 = arith.constant 0 : i32
      %dma_start3A_37 = tpu.memref_slice %arg18[%mul3A_0, %dma_start3A_36] : memref<10000x16xf32, #tpu.memory_space<vmem_shared>> -> memref<625x16xf32, #tpu.memory_space<vmem_shared>>
      tpu.enqueue_dma source(%dma_start3A_37 : memref<625x16xf32, #tpu.memory_space<vmem_shared>>) target(%dma_start3A_35 : memref<625x16xf32, #tpu.memory_space<hbm>>) target_semaphore(%run_scoped3A : memref<!tpu.dma_semaphore, #tpu.memory_space<semaphore_mem>>)
      %dma_wait3A = arith.constant 80 : i32
      %dma_wait3A_38 = tpu.memref_slice %arg9[%arg0, %mul3A_0, %dma_wait3A] : memref<2x10000x128xf32, #tpu.memory_space<hbm>> -> memref<1x625x16xf32, #tpu.memory_space<hbm>>
      %dma_wait3A_39 = tpu.memref_squeeze %dma_wait3A_38 : memref<1x625x16xf32, #tpu.memory_space<hbm>> -> memref<625x16xf32, #tpu.memory_space<hbm>>
      %dma_wait3A_40 = arith.constant 0 : i32
      %dma_wait3A_41 = tpu.memref_slice %arg18[%mul3A_0, %dma_wait3A_40] : memref<10000x16xf32, #tpu.memory_space<vmem_shared>> -> memref<625x16xf32, #tpu.memory_space<vmem_shared>>
      tpu.wait_dma2 semaphore(%run_scoped3A : memref<!tpu.dma_semaphore, #tpu.memory_space<semaphore_mem>>) src(%dma_wait3A_41 : memref<625x16xf32, #tpu.memory_space<vmem_shared>>) dst(%dma_wait3A_39 : memref<625x16xf32, #tpu.memory_space<hbm>>)
      tpu.yield
    }) : () -> ()
    return
  }
}

module attributes {stable_mosaic.version = 14 : i64} {
  func.func @_tc_body(%arg0: memref<2x10000x128xf32, #tpu.memory_space<vmem>>, %arg1: memref<10000x128xf32, #tpu.memory_space<vmem>>, %arg2: memref<10000x32xf32, #tpu.memory_space<vmem>>, %arg3: memref<160x256xf32, #tpu.memory_space<vmem>>, %arg4: memref<160x256xf32, #tpu.memory_space<vmem>>, %arg5: memref<256xf32, #tpu.memory_space<vmem>>, %arg6: memref<256xf32, #tpu.memory_space<vmem>>, %arg7: memref<256xf32, #tpu.memory_space<vmem>>, %arg8: memref<256x128xf32, #tpu.memory_space<vmem>>, %arg9: memref<128xf32, #tpu.memory_space<vmem>>, %arg10: memref<128x64xf32, #tpu.memory_space<vmem>>, %arg11: memref<64xf32, #tpu.memory_space<vmem>>, %arg12: memref<64x64xf32, #tpu.memory_space<vmem>>, %arg13: memref<64xf32, #tpu.memory_space<vmem>>, %arg14: memref<64x128xf32, #tpu.memory_space<vmem>>, %arg15: memref<128xf32, #tpu.memory_space<vmem>>, %arg16: memref<10000x128xf32, #tpu.memory_space<vmem>>) attributes {dimension_semantics = [], scalar_prefetch = 0 : i64, scratch_operands = 0 : i64, tpu.core_type = #tpu.core_type<tc>} {
    %get3A = arith.constant 0 : index
    %get3A_0 = arith.constant 0 : index
    %get3A_1 = arith.constant 0 : index
    %get3A_2 = vector.load %arg0[%get3A, %get3A_0, %get3A_1] : memref<2x10000x128xf32, #tpu.memory_space<vmem>>, vector<1x10000x128xf32>
    %get3A_3 = vector.shape_cast %get3A_2 : vector<1x10000x128xf32> to vector<10000x128xf32>
    %get3A_4 = arith.constant 1 : index
    %get3A_5 = arith.constant 0 : index
    %get3A_6 = arith.constant 0 : index
    %get3A_7 = vector.load %arg0[%get3A_4, %get3A_5, %get3A_6] : memref<2x10000x128xf32, #tpu.memory_space<vmem>>, vector<1x10000x128xf32>
    %get3A_8 = vector.shape_cast %get3A_7 : vector<1x10000x128xf32> to vector<10000x128xf32>
    %slice3A = vector.extract_strided_slice %get3A_3 {offsets = [0, 80], sizes = [10000, 1], strides = [1, 1]} : vector<10000x128xf32> to vector<10000x1xf32>
    %slice3A_9 = vector.extract_strided_slice %get3A_8 {offsets = [0, 80], sizes = [10000, 1], strides = [1, 1]} : vector<10000x128xf32> to vector<10000x1xf32>
    %add3A = arith.addf %slice3A, %slice3A_9 : vector<10000x1xf32>
    %max3A = arith.constant 1.000000e+00 : f32
    %max3A_10 = vector.broadcast %max3A : f32 to vector<10000x1xf32>
    %max3A_11 = arith.maximumf %add3A, %max3A_10 : vector<10000x1xf32>
    %div3A = arith.constant 1.000000e+00 : f32
    %div3A_12 = vector.broadcast %div3A : f32 to vector<10000x1xf32>
    %div3A_13 = arith.divf %div3A_12, %max3A_11 : vector<10000x1xf32>
    %slice3A_14 = vector.extract_strided_slice %get3A_3 {offsets = [0, 0], sizes = [10000, 80], strides = [1, 1]} : vector<10000x128xf32> to vector<10000x80xf32>
    %mul3A = vector.broadcast %div3A_13 : vector<10000x1xf32> to vector<10000x80xf32>
    %mul3A_15 = arith.mulf %slice3A_14, %mul3A : vector<10000x80xf32>
    %get3A_16 = arith.constant 0 : index
    %get3A_17 = arith.constant 0 : index
    %get3A_18 = vector.load %arg3[%get3A_16, %get3A_17] : memref<160x256xf32, #tpu.memory_space<vmem>>, vector<80x256xf32>
    %dot_general3A = arith.constant dense<0.000000e+00> : vector<10000x256xf32>
    %dot_general3A_19 = tpu.matmul %mul3A_15, %get3A_18, %dot_general3A {dimension_numbers = #tpu.dot_dimension_numbers<[1], [0], [0], [1], [0, 0, 1, 1], [], []>, transpose_lhs_hint = false} : vector<10000x80xf32>, vector<80x256xf32>, vector<10000x256xf32> -> vector<10000x256xf32>
    %slice3A_20 = vector.extract_strided_slice %get3A_8 {offsets = [0, 0], sizes = [10000, 80], strides = [1, 1]} : vector<10000x128xf32> to vector<10000x80xf32>
    %mul3A_21 = vector.broadcast %div3A_13 : vector<10000x1xf32> to vector<10000x80xf32>
    %mul3A_22 = arith.mulf %slice3A_20, %mul3A_21 : vector<10000x80xf32>
    %get3A_23 = arith.constant 80 : index
    %get3A_24 = arith.constant 0 : index
    %get3A_25 = vector.load %arg3[%get3A_23, %get3A_24] : memref<160x256xf32, #tpu.memory_space<vmem>>, vector<80x256xf32>
    %dot_general3A_26 = arith.constant dense<0.000000e+00> : vector<10000x256xf32>
    %dot_general3A_27 = tpu.matmul %mul3A_22, %get3A_25, %dot_general3A_26 {dimension_numbers = #tpu.dot_dimension_numbers<[1], [0], [0], [1], [0, 0, 1, 1], [], []>, transpose_lhs_hint = false} : vector<10000x80xf32>, vector<80x256xf32>, vector<10000x256xf32> -> vector<10000x256xf32>
    %add3A_28 = arith.addf %dot_general3A_19, %dot_general3A_27 : vector<10000x256xf32>
    %get3A_29 = arith.constant 0 : index
    %get3A_30 = arith.constant 0 : index
    %get3A_31 = vector.load %arg1[%get3A_29, %get3A_30] : memref<10000x128xf32, #tpu.memory_space<vmem>>, vector<10000x128xf32>
    %get3A_32 = arith.constant 0 : index
    %get3A_33 = arith.constant 0 : index
    %get3A_34 = vector.load %arg4[%get3A_32, %get3A_33] : memref<160x256xf32, #tpu.memory_space<vmem>>, vector<128x256xf32>
    %dot_general3A_35 = arith.constant dense<0.000000e+00> : vector<10000x256xf32>
    %dot_general3A_36 = tpu.matmul %get3A_31, %get3A_34, %dot_general3A_35 {dimension_numbers = #tpu.dot_dimension_numbers<[1], [0], [0], [1], [0, 0, 1, 1], [], []>, transpose_lhs_hint = false} : vector<10000x128xf32>, vector<128x256xf32>, vector<10000x256xf32> -> vector<10000x256xf32>
    %add3A_37 = arith.addf %add3A_28, %dot_general3A_36 : vector<10000x256xf32>
    %get3A_38 = arith.constant 0 : index
    %get3A_39 = arith.constant 0 : index
    %get3A_40 = vector.load %arg2[%get3A_38, %get3A_39] : memref<10000x32xf32, #tpu.memory_space<vmem>>, vector<10000x32xf32>
    %get3A_41 = arith.constant 128 : index
    %get3A_42 = arith.constant 0 : index
    %get3A_43 = vector.load %arg4[%get3A_41, %get3A_42] : memref<160x256xf32, #tpu.memory_space<vmem>>, vector<32x256xf32>
    %dot_general3A_44 = arith.constant dense<0.000000e+00> : vector<10000x256xf32>
    %dot_general3A_45 = tpu.matmul %get3A_40, %get3A_43, %dot_general3A_44 {dimension_numbers = #tpu.dot_dimension_numbers<[1], [0], [0], [1], [0, 0, 1, 1], [], []>, transpose_lhs_hint = false} : vector<10000x32xf32>, vector<32x256xf32>, vector<10000x256xf32> -> vector<10000x256xf32>
    %add3A_46 = arith.addf %add3A_37, %dot_general3A_45 : vector<10000x256xf32>
    %get3A_47 = arith.constant 0 : index
    %get3A_48 = vector.load %arg5[%get3A_47] : memref<256xf32, #tpu.memory_space<vmem>>, vector<256xf32>
    %broadcast_in_dim3A = vector.shape_cast %get3A_48 : vector<256xf32> to vector<1x256xf32>
    %add3A_49 = vector.broadcast %broadcast_in_dim3A : vector<1x256xf32> to vector<10000x256xf32>
    %add3A_50 = arith.addf %add3A_46, %add3A_49 : vector<10000x256xf32>
    %reduce_sum3A = arith.constant dense<0.000000e+00> : vector<256xf32>
    %reduce_sum3A_51 = vector.multi_reduction <add>, %add3A_50, %reduce_sum3A [0] : vector<10000x256xf32> to vector<256xf32>
    %broadcast_in_dim3A_52 = vector.shape_cast %reduce_sum3A_51 : vector<256xf32> to vector<1x256xf32>
    %div3A_53 = arith.constant 1.000000e+04 : f32
    %div3A_54 = vector.broadcast %div3A_53 : f32 to vector<1x256xf32>
    %div3A_55 = arith.divf %broadcast_in_dim3A_52, %div3A_54 : vector<1x256xf32>
    %mul3A_56 = arith.mulf %add3A_50, %add3A_50 : vector<10000x256xf32>
    %reduce_sum3A_57 = arith.constant dense<0.000000e+00> : vector<256xf32>
    %reduce_sum3A_58 = vector.multi_reduction <add>, %mul3A_56, %reduce_sum3A_57 [0] : vector<10000x256xf32> to vector<256xf32>
    %broadcast_in_dim3A_59 = vector.shape_cast %reduce_sum3A_58 : vector<256xf32> to vector<1x256xf32>
    %div3A_60 = arith.constant 1.000000e+04 : f32
    %div3A_61 = vector.broadcast %div3A_60 : f32 to vector<1x256xf32>
    %div3A_62 = arith.divf %broadcast_in_dim3A_59, %div3A_61 : vector<1x256xf32>
    %mul3A_63 = arith.mulf %div3A_55, %div3A_55 : vector<1x256xf32>
    %sub3A = arith.subf %div3A_62, %mul3A_63 : vector<1x256xf32>
    %sub3A_64 = vector.broadcast %div3A_55 : vector<1x256xf32> to vector<10000x256xf32>
    %sub3A_65 = arith.subf %add3A_50, %sub3A_64 : vector<10000x256xf32>
    %get3A_66 = arith.constant 0 : index
    %get3A_67 = vector.load %arg6[%get3A_66] : memref<256xf32, #tpu.memory_space<vmem>>, vector<256xf32>
    %add3A_68 = arith.constant 9.99999974E-6 : f32
    %add3A_69 = vector.broadcast %add3A_68 : f32 to vector<1x256xf32>
    %add3A_70 = arith.addf %sub3A, %add3A_69 : vector<1x256xf32>
    %rsqrt3A = math.rsqrt %add3A_70 : vector<1x256xf32>
    %broadcast_in_dim3A_71 = vector.shape_cast %get3A_67 : vector<256xf32> to vector<1x256xf32>
    %mul3A_72 = arith.mulf %broadcast_in_dim3A_71, %rsqrt3A : vector<1x256xf32>
    %mul3A_73 = vector.broadcast %mul3A_72 : vector<1x256xf32> to vector<10000x256xf32>
    %mul3A_74 = arith.mulf %sub3A_65, %mul3A_73 : vector<10000x256xf32>
    %get3A_75 = arith.constant 0 : index
    %get3A_76 = vector.load %arg7[%get3A_75] : memref<256xf32, #tpu.memory_space<vmem>>, vector<256xf32>
    %broadcast_in_dim3A_77 = vector.shape_cast %get3A_76 : vector<256xf32> to vector<1x256xf32>
    %add3A_78 = vector.broadcast %broadcast_in_dim3A_77 : vector<1x256xf32> to vector<10000x256xf32>
    %add3A_79 = arith.addf %mul3A_74, %add3A_78 : vector<10000x256xf32>
    %gt3A = arith.constant 0.000000e+00 : f32
    %gt3A_80 = vector.broadcast %gt3A : f32 to vector<10000x256xf32>
    %gt3A_81 = arith.cmpf ogt, %add3A_79, %gt3A_80 : vector<10000x256xf32>
    %mul3A_82 = arith.constant 2.000000e-01 : f32
    %mul3A_83 = vector.broadcast %mul3A_82 : f32 to vector<10000x256xf32>
    %mul3A_84 = arith.mulf %mul3A_83, %add3A_79 : vector<10000x256xf32>
    %select_n3A = arith.select %gt3A_81, %add3A_79, %mul3A_84 : vector<10000x256xi1>, vector<10000x256xf32>
    %get3A_85 = arith.constant 0 : index
    %get3A_86 = arith.constant 0 : index
    %get3A_87 = vector.load %arg8[%get3A_85, %get3A_86] : memref<256x128xf32, #tpu.memory_space<vmem>>, vector<256x128xf32>
    %dot_general3A_88 = arith.constant dense<0.000000e+00> : vector<10000x128xf32>
    %dot_general3A_89 = tpu.matmul %select_n3A, %get3A_87, %dot_general3A_88 {dimension_numbers = #tpu.dot_dimension_numbers<[1], [0], [0], [1], [0, 0, 1, 1], [], []>, transpose_lhs_hint = false} : vector<10000x256xf32>, vector<256x128xf32>, vector<10000x128xf32> -> vector<10000x128xf32>
    %get3A_90 = arith.constant 0 : index
    %get3A_91 = vector.load %arg9[%get3A_90] : memref<128xf32, #tpu.memory_space<vmem>>, vector<128xf32>
    %broadcast_in_dim3A_92 = vector.shape_cast %get3A_91 : vector<128xf32> to vector<1x128xf32>
    %add3A_93 = vector.broadcast %broadcast_in_dim3A_92 : vector<1x128xf32> to vector<10000x128xf32>
    %add3A_94 = arith.addf %dot_general3A_89, %add3A_93 : vector<10000x128xf32>
    %gt3A_95 = arith.constant 0.000000e+00 : f32
    %gt3A_96 = vector.broadcast %gt3A_95 : f32 to vector<10000x128xf32>
    %gt3A_97 = arith.cmpf ogt, %add3A_94, %gt3A_96 : vector<10000x128xf32>
    %mul3A_98 = arith.constant 2.000000e-01 : f32
    %mul3A_99 = vector.broadcast %mul3A_98 : f32 to vector<10000x128xf32>
    %mul3A_100 = arith.mulf %mul3A_99, %add3A_94 : vector<10000x128xf32>
    %select_n3A_101 = arith.select %gt3A_97, %add3A_94, %mul3A_100 : vector<10000x128xi1>, vector<10000x128xf32>
    %get3A_102 = arith.constant 0 : index
    %get3A_103 = arith.constant 0 : index
    %get3A_104 = vector.load %arg10[%get3A_102, %get3A_103] : memref<128x64xf32, #tpu.memory_space<vmem>>, vector<128x64xf32>
    %dot_general3A_105 = arith.constant dense<0.000000e+00> : vector<10000x64xf32>
    %dot_general3A_106 = tpu.matmul %select_n3A_101, %get3A_104, %dot_general3A_105 {dimension_numbers = #tpu.dot_dimension_numbers<[1], [0], [0], [1], [0, 0, 1, 1], [], []>, transpose_lhs_hint = false} : vector<10000x128xf32>, vector<128x64xf32>, vector<10000x64xf32> -> vector<10000x64xf32>
    %get3A_107 = arith.constant 0 : index
    %get3A_108 = vector.load %arg11[%get3A_107] : memref<64xf32, #tpu.memory_space<vmem>>, vector<64xf32>
    %broadcast_in_dim3A_109 = vector.shape_cast %get3A_108 : vector<64xf32> to vector<1x64xf32>
    %add3A_110 = vector.broadcast %broadcast_in_dim3A_109 : vector<1x64xf32> to vector<10000x64xf32>
    %add3A_111 = arith.addf %dot_general3A_106, %add3A_110 : vector<10000x64xf32>
    %gt3A_112 = arith.constant 0.000000e+00 : f32
    %gt3A_113 = vector.broadcast %gt3A_112 : f32 to vector<10000x64xf32>
    %gt3A_114 = arith.cmpf ogt, %add3A_111, %gt3A_113 : vector<10000x64xf32>
    %mul3A_115 = arith.constant 2.000000e-01 : f32
    %mul3A_116 = vector.broadcast %mul3A_115 : f32 to vector<10000x64xf32>
    %mul3A_117 = arith.mulf %mul3A_116, %add3A_111 : vector<10000x64xf32>
    %select_n3A_118 = arith.select %gt3A_114, %add3A_111, %mul3A_117 : vector<10000x64xi1>, vector<10000x64xf32>
    %get3A_119 = arith.constant 0 : index
    %get3A_120 = arith.constant 0 : index
    %get3A_121 = vector.load %arg12[%get3A_119, %get3A_120] : memref<64x64xf32, #tpu.memory_space<vmem>>, vector<64x64xf32>
    %dot_general3A_122 = arith.constant dense<0.000000e+00> : vector<10000x64xf32>
    %dot_general3A_123 = tpu.matmul %select_n3A_118, %get3A_121, %dot_general3A_122 {dimension_numbers = #tpu.dot_dimension_numbers<[1], [0], [0], [1], [0, 0, 1, 1], [], []>, transpose_lhs_hint = false} : vector<10000x64xf32>, vector<64x64xf32>, vector<10000x64xf32> -> vector<10000x64xf32>
    %get3A_124 = arith.constant 0 : index
    %get3A_125 = vector.load %arg13[%get3A_124] : memref<64xf32, #tpu.memory_space<vmem>>, vector<64xf32>
    %broadcast_in_dim3A_126 = vector.shape_cast %get3A_125 : vector<64xf32> to vector<1x64xf32>
    %add3A_127 = vector.broadcast %broadcast_in_dim3A_126 : vector<1x64xf32> to vector<10000x64xf32>
    %add3A_128 = arith.addf %dot_general3A_123, %add3A_127 : vector<10000x64xf32>
    %gt3A_129 = arith.constant 0.000000e+00 : f32
    %gt3A_130 = vector.broadcast %gt3A_129 : f32 to vector<10000x64xf32>
    %gt3A_131 = arith.cmpf ogt, %add3A_128, %gt3A_130 : vector<10000x64xf32>
    %mul3A_132 = arith.constant 2.000000e-01 : f32
    %mul3A_133 = vector.broadcast %mul3A_132 : f32 to vector<10000x64xf32>
    %mul3A_134 = arith.mulf %mul3A_133, %add3A_128 : vector<10000x64xf32>
    %select_n3A_135 = arith.select %gt3A_131, %add3A_128, %mul3A_134 : vector<10000x64xi1>, vector<10000x64xf32>
    %get3A_136 = arith.constant 0 : index
    %get3A_137 = arith.constant 0 : index
    %get3A_138 = vector.load %arg14[%get3A_136, %get3A_137] : memref<64x128xf32, #tpu.memory_space<vmem>>, vector<64x128xf32>
    %dot_general3A_139 = arith.constant dense<0.000000e+00> : vector<10000x128xf32>
    %dot_general3A_140 = tpu.matmul %select_n3A_135, %get3A_138, %dot_general3A_139 {dimension_numbers = #tpu.dot_dimension_numbers<[1], [0], [0], [1], [0, 0, 1, 1], [], []>, transpose_lhs_hint = false} : vector<10000x64xf32>, vector<64x128xf32>, vector<10000x128xf32> -> vector<10000x128xf32>
    %get3A_141 = arith.constant 0 : index
    %get3A_142 = vector.load %arg15[%get3A_141] : memref<128xf32, #tpu.memory_space<vmem>>, vector<128xf32>
    %broadcast_in_dim3A_143 = vector.shape_cast %get3A_142 : vector<128xf32> to vector<1x128xf32>
    %add3A_144 = vector.broadcast %broadcast_in_dim3A_143 : vector<1x128xf32> to vector<10000x128xf32>
    %add3A_145 = arith.addf %dot_general3A_140, %add3A_144 : vector<10000x128xf32>
    %gt3A_146 = arith.constant 0.000000e+00 : f32
    %gt3A_147 = vector.broadcast %gt3A_146 : f32 to vector<10000x128xf32>
    %gt3A_148 = arith.cmpf ogt, %add3A_145, %gt3A_147 : vector<10000x128xf32>
    %mul3A_149 = arith.constant 2.000000e-01 : f32
    %mul3A_150 = vector.broadcast %mul3A_149 : f32 to vector<10000x128xf32>
    %mul3A_151 = arith.mulf %mul3A_150, %add3A_145 : vector<10000x128xf32>
    %select_n3A_152 = arith.select %gt3A_148, %add3A_145, %mul3A_151 : vector<10000x128xi1>, vector<10000x128xf32>
    %swap3A = arith.constant 0 : index
    %swap3A_153 = arith.constant 0 : index
    %swap3A_154 = vector.load %arg16[%swap3A, %swap3A_153] : memref<10000x128xf32, #tpu.memory_space<vmem>>, vector<10000x128xf32>
    tpu.vector_store %arg16[%swap3A, %swap3A_153], %select_n3A_152 {strides = array<i32>} : memref<10000x128xf32, #tpu.memory_space<vmem>>, vector<10000x128xf32>,
    return
  }
}

</mosaic_0001>

<sc_bundles>
// kernel: kernel.4.cloned.1.call-start
scs
__scs_entry_jumppad:
0x0: {  	(pc) =	sbr.rel $0x88, $3  }
0x1: {  	(tag) =	ssettag $0x0;
	lr =	simm.s32 $0x1  }
0x2: {  	[smem:$0x3F91] =	sst lr;
	_ =	strace $0xD0000000  }
0x3: {  	_ = 	snop  }
0x4: {  	_ = 	snop  }
0x5: {  	_ = 	snop  }
0x6: {  	_ = 	snop  }
0x7: {  	_ = 	snop  }
__scs_overlays_trampoline_lowered:
0x8: {  	[smem:$0x3FA0] =	sst s0  }
0x9: {  	[smem:$0x3FA1] =	sst s1  }
0xa: {  	[smem:$0x3FA2] =	sst s2  }
0xb: {  	[smem:$0x3FA3] =	sst s3  }
0xc: {  	[smem:$0x3FA4] =	sst s4  }
0xd: {  	[smem:$0x3FA5] =	sst s5  }
0xe: {  	[smem:$0x3FA6] =	sst s6  }
0xf: {  	[smem:$0x3FA7] =	sst s7  }
0x10: {  	[smem:$0x3FA8] =	sst s8  }
0x11: {  	[smem:$0x3FA9] =	sst s9;
	s0 =	simm.s32 @!p0 $0x0  }
0x12: {  	s1 =	sld [smem:$0x3F8F];
	s0 =	simm.s32 @p0 $0x1  }
0x13: {  	[smem:$0x3FAA] =	sst s0;
	s0 =	simm.s32 @!p1 $0x0  }
0x14: {  	s2 =	sld [smem:$0x3F8E];
	s0 =	simm.s32 @p1 $0x1  }
0x15: {  	[smem:$0x3FAB] =	sst s0;
	s0 =	simm.s32 @!p2 $0x0  }
0x16: {  	s3 =	sld [smem:$0x3FDB];
	s0 =	simm.s32 @p2 $0x1  }
0x17: {  	s4 =	simm.s32 $0x1BF5;
	[smem:$0x3FAD] =	sst s0  }
0x18: {  	s0 =	sld [smem:$0x3F90];
	_ =	swait.ge [sflag:s4], $0x0  }
0x19: {  	s7 =	sld [smem:$0x3F91]  }
0x1a: {  	s8 =	sadd.s32 $0xFFFFE003, lr  }
0x1b: {  	s9 =	sadd.s32 $0xFFFFFEF7, lr;
	s5 =	simm.s32 $0xFFFFFFFF;
	p2 =	slt.u32 s8, $0xFFFFF086  }
0x1c: {  	p1 =	slt.u32 s9, $0xF7A;
	s5 =	simm.s32 @!p2 $0x0  }
0x1d: {  	s5 =	simm.s32 @p1 $0x1;
	p0 =	seq.s32 s7, s2  }
0x1e: {  	s7 =	smul.u32 @!p0 $0xF7A, s2;
	p2 =	seq.s32 @!p0 s5, $0x0  }
0x1f: {  	s9 =	smul.u32 $0xF7A, s1;
	s8 =	simm.s32 @!p0 $0x1BF5;
	p2 =	por !p2, p0  }
0x20: {  	[sflag:s8] =	ssyncset.s32 @!p0 $0xFFFFF086;
	s6 =	sadd.s32 @!p0 s3, s7;
	s7 =	simm.s32 @!p0 $0x108  }
0x21: {  	s3 =	sadd.s32 s3, s9;
	s6 =	sadd.s32 @!p0 $0x88, s6;
	s7 =	simm.s32 @p2 $0x1082  }
0x22: {  	[simem:s7], [sflag:s8] =	dma.local @!p0 [hbm:s6], $0xF7A  }
0x23: {  	s9 =	sor.u32 $0xD0000000, s2;
	s6 =	simm.s32 $0x108;
	_ =	swait.ge @!p0 [sflag:s8], $0x0  }
0x24: {  	s3 =	sadd.s32 $0x88, s3;
	s6 =	simm.s32 @!p1 $0x1082;
	[sflag:s4] =	ssyncset.s32 $0xFFFFF086  }
0x25: {  	[simem:s6], [sflag:s4] =	dma.local [hbm:s3], $0xF7A  }
0x26: {  	[smem:$0x3F91] =	sst s1;
	(tag) =	ssettag s2;
	_ =	strace s9  }
0x27: {  	s1 =	sld [smem:$0x3FA1]  }
0x28: {  	s2 =	sld [smem:$0x3FA2]  }
0x29: {  	s4 =	sld [smem:$0x3FA4]  }
0x2a: {  	p0 =	seq.s32 s5, $0x0;
	s5 =	sld [smem:$0x3FA5]  }
0x2b: {  	s6 =	sld [smem:$0x3FA6]  }
0x2c: {  	s7 =	sld [smem:$0x3FA7]  }
0x2d: {  	s3 =	simm.s32 $0x108;
	s8 =	sld [smem:$0x3FA8]  }
0x2e: {  	s3 =	simm.s32 @!p0 $0x1082;
	s9 =	sld [smem:$0x3FA9]  }
0x2f: {  	lr =	sadd.s32 s0, s3;
	s0 =	sld [smem:$0x3FA0]  }
0x30: {  	s3 =	sld [smem:$0x3FA3]  }
0x31: {  	[smem:$0x3FAC] =	sst s10  }
0x32: {  	s10 =	sld [smem:$0x3FAA];
	_ =	sdelay $0x3  }
0x33: {  	p0 =	seq.s32 s10, $0x1;
	s10 =	sld [smem:$0x3FAC];
	_ =	sdelay $0x3  }
0x34: {  	[smem:$0x3FAC] =	sst s10  }
0x35: {  	s10 =	sld [smem:$0x3FAB];
	_ =	sdelay $0x3  }
0x36: {  	p1 =	seq.s32 s10, $0x1;
	s10 =	sld [smem:$0x3FAC];
	_ =	sdelay $0x3  }
0x37: {  	[smem:$0x3FAC] =	sst s10  }
0x38: {  	s10 =	sld [smem:$0x3FAD]  }
0x39: {  	_ = 	snop;
	(pc) =	sbr.ind lr, $3  }
0x3a: {  	_ = 	snop  }
0x3b: {  	_ = 	snop  }
0x3c: {  	p2 =	seq.s32 s10, $0x1;
	s10 =	sld [smem:$0x3FAC]  }
0x3d: {  	_ =	shalt  }
0x3e: {  	_ =	shalt  }
0x3f: {  	_ =	shalt  }
0x40: {  	_ =	shalt  }
0x41: {  	_ =	shalt  }
0x42: {  	_ =	shalt  }
0x43: {  	_ =	shalt  }
0x44: {  	_ =	shalt  }
0x45: {  	_ =	shalt  }
0x46: {  	_ =	shalt  }
0x47: {  	_ =	shalt  }
0x48: {  	_ =	shalt  }
0x49: {  	_ =	shalt  }
0x4a: {  	_ =	shalt  }
0x4b: {  	_ =	shalt  }
0x4c: {  	_ =	shalt  }
0x4d: {  	_ =	shalt  }
0x4e: {  	_ =	shalt  }
0x4f: {  	_ =	shalt  }
0x50: {  	_ =	shalt  }
0x51: {  	_ =	shalt  }
0x52: {  	_ =	shalt  }
0x53: {  	_ =	shalt  }
0x54: {  	_ =	shalt  }
0x55: {  	_ =	shalt  }
0x56: {  	_ =	shalt  }
0x57: {  	_ =	shalt  }
0x58: {  	_ =	shalt  }
0x59: {  	_ =	shalt  }
0x5a: {  	_ =	shalt  }
0x5b: {  	_ =	shalt  }
0x5c: {  	_ =	shalt  }
0x5d: {  	_ =	shalt  }
0x5e: {  	_ =	shalt  }
0x5f: {  	_ =	shalt  }
0x60: {  	_ =	shalt  }
0x61: {  	_ =	shalt  }
0x62: {  	_ =	shalt  }
0x63: {  	_ =	shalt  }
0x64: {  	_ =	shalt  }
0x65: {  	_ =	shalt  }
0x66: {  	_ =	shalt  }
0x67: {  	_ =	shalt  }
0x68: {  	_ =	shalt  }
0x69: {  	_ =	shalt  }
0x6a: {  	_ =	shalt  }
0x6b: {  	_ =	shalt  }
0x6c: {  	_ =	shalt  }
0x6d: {  	_ =	shalt  }
0x6e: {  	_ =	shalt  }
0x6f: {  	_ =	shalt  }
0x70: {  	_ =	shalt  }
0x71: {  	_ =	shalt  }
0x72: {  	_ =	shalt  }
0x73: {  	_ =	shalt  }
0x74: {  	_ =	shalt  }
0x75: {  	_ =	shalt  }
0x76: {  	_ =	shalt  }
0x77: {  	_ =	shalt  }
0x78: {  	_ =	shalt  }
0x79: {  	_ =	shalt  }
0x7a: {  	_ =	shalt  }
0x7b: {  	_ =	shalt  }
0x7c: {  	_ =	shalt  }
0x7d: {  	_ =	shalt  }
0x7e: {  	_ =	shalt  }
0x7f: {  	_ =	shalt  }
0x80: {  	_ =	shalt  }
0x81: {  	_ =	shalt  }
0x82: {  	_ =	shalt  }
0x83: {  	_ =	shalt  }
0x84: {  	_ =	shalt  }
0x85: {  	_ =	shalt  }
0x86: {  	_ =	shalt  }
0x87: {  	_ =	shalt  }
.Lfunc_end0:
.L_simem_size_0:
called_computation_lowered:
.L_overlay_start_0:
0x88: {  	s2 =	sld [smem:$0x3FD9]  }
0x89: {  	s3 =	sld [smem:$0x3FFE];
	_ =	sdelay $0x1  }
0x8a: {  	s1 =	srdreg.scid  }
0x8b: {  	s0 =	sand.u32 $0x1, s1  }
0x8c: {  	s17 =	sshll.u32 s0, $0xA;
	s2 =	sadd.s32 s3, s2  }
0x8d: {  	s2 =	sadd.s32 s2, s17  }
0x8e: {  	[smem:$0x3FB8] =	sst s2  }
0x8f: {  	_ = 	snop  }
0x90: {  	s2 =	sld [smem:$0x3FD0];
	(tm) =	ssettm $0x1  }
0x91: {  	s18 =	sld [smem:$0x3FFB];
	_ =	sdelay $0x3  }
0x92: {  	_ =	strace s18  }
0x93: {  	s3 =	sld [smem:$0x3FFC];
	_ =	sdelay $0x3  }
0x94: {  	_ =	strace s3  }
0x95: {  	s3 =	sld [smem:$0x3FFD];
	_ =	sdelay $0x3  }
0x96: {  	_ =	strace s3  }
0x97: {  	_ =	strace $0x8FFFFFFF  }
0x98: {  	s19 =	sld [smem:$0x3FDB];
	_ =	sdelay $0x1  }
0x99: {  	s4 =	simm.s32 $_scs_section_size  }
0x9a: {  	s5 =	simm.s32 $_size__tile_overlayer_lowered;
	s6 =	simm.s32 $_tile_overlayer_lowered  }
0x9b: {  	s22 =	simm.s32 $0x1BFF;
	s21 =	sshll.u32 s6, $0x1;
	s3 =	sadd.s32 s4, s19  }
0x9c: {  	s7 =	simm.s32 $0x0;
	s20 =	sshll.u32 s5, $0x1;
	s5 =	sadd.s32 s21, s3  }
0x9d: {  	[timem:s7], [sflag:s22] =	dma.local [hbm:s5], s20  }
0x9e: {  	_ =	swait.ge [sflag:s22], s20  }
0x9f: {  	s4 =	ssub.s32 $0x0, s20;
	[sflag:s22] =	ssyncset.done $0x0  }
0xa0: {  	[sflag:s22] =	ssyncadd.s32 s4;
	_ =	sdelay $0x1  }
0xa1: {  	s23 =	simm.s32 $0x1B8B  }
0xa2: {  	_ =	swait.ge [sflag:s23], $0x1  }
0xa3: {  	[sflag:s23] =	ssyncset.done $0x0  }
0xa4: {  	s25 =	simm.s32 $0x1B8E;
	s24 =	sld [smem:$0x3FFE];
	[sflag:s23] =	ssyncadd.s32 $0xFFFFFFFF  }
0xa5: {  	s26 =	simm.s32 $execute0_lowered;
	[smem:$0x3FD2] =	sst s25  }
0xa6: {  	s5 =	sshll.u32 s26, $0x1;
	_ =	strace $0x80000046;
	[dreg:$0x1] =	wrdreg $0xFFFFFFFF  }
0xa7: {  	s28 =	simm.s32 $_size_execute0_lowered;
	s3 =	sadd.s32 s3, s5;
	[dreg:$0x0] =	wrdreg $0x0  }
0xa8: {  	s5 =	sshll.u32 s28, $0x1;
	[dreg:$0x2] =	wrdreg s3  }
0xa9: {  	[dreg:$0x3] =	wrdreg s5  }
0xaa: {  	[dreg:$0x4] =	wrdreg $0xC0  }
0xab: {  	_ =	task [dreg:s7], $0x5FFFF  }
0xac: {  	[dreg:$0x1] =	wrdreg $0xFFFFFFFF  }
0xad: {  	[dreg:$0x0] =	wrdreg $0x60  }
0xae: {  	[dreg:$0x2] =	wrdreg s2  }
0xaf: {  	[dreg:$0x3] =	wrdreg s24  }
0xb0: {  	[dreg:$0x4] =	wrdreg $0x105400  }
0xb1: {  	[dreg:$0x5] =	wrdreg $0x1C8900  }
0xb2: {  	[dreg:$0x6] =	wrdreg $0x9  }
0xb3: {  	_ =	task.clear_ibuf [dreg:s7], $0x7FFFF;
	_ =	strace $0x90000046  }
0xb4: {  	s29 =	simm.s32 $0x9;
	_ =	strace $0x80000048  }
0xb5: {  	_ =	swait.ge [sflag:s29], $0x1  }
0xb6: {  	[sflag:s29] =	ssyncadd.s32 $0xFFFFFFFF  }
0xb7: {  	_ =	strace $0x90000048  }
0xb8: {  	_ =	sfence  }
0xb9: {  	s30 =	sld [smem:$0x0];
	_ =	sdelay $0x2  }
0xba: {  	s31 =	sshll.u32 s1, $0xD;
	s1 =	sshrl.u32 s1, $0x2  }
0xbb: {  	s3 =	sand.u32 $0x4000, s31;
	s1 =	sadd.s32 s1, s30  }
0xbc: {  	s0 =	sor.u32 s3, s0;
	s1 =	sshll.u32 s1, $0x11  }
0xbd: {  	s0 =	sor.u32 s1, s0  }
0xbe: {  	s0 =	sadd.s32 $0x8F2B, s0  }
0xbf: {  	[sflag:s0] =	ssyncadd.remote.s32 $0x1  }
0xc0: {  	_ =	sfence.sel $0xFFFF  }
0xc1: {  	[dreg:$0x0] =	wrdreg $0xFFFFFFFF;
	(pc) =	sbr.abs _section_cstart, $3  }
0xc2: {  	[dreg:$0x1] =	wrdreg $0xFFFFFFFF  }
0xc3: {  	_ =	task.clear_ibuf [dreg:s7], $0x2FFFF;
	_ =	strace $0x9FFFFFFF  }
0xc4: {  	(tm) =	ssettm $0x7FFFFFFF  }
0xc5: {  	_ =	shalt  }
tec
execute0_lowered:
.L_overlay_start_1:
0x0: {  	(tag) =	ssettag $0x1  }
0x1: {  	s0 =	rddreg [dreg:$0x0]  }
0x2: {  	s1 =	rddreg [dreg:$0x1]  }
0x3: {  	s2 =	rddreg [dreg:$0x2]  }
0x4: {  	s3 =	rddreg [dreg:$0x3];
	s4 =	simm.s32 $0x0  }
0x5: {  	s13 =	stileid.u32;
	s5 =	srdreg.scid;
	s28 =	simm.s32 $0x1  }
0x6: {  	s29 =	simm.s32 $0x6;
	s30 =	simm.s32 $0x2;
	[smem:$0x7FF] =	sst s4  }
0x7: {  	s6 =	smul.u32 $0x9C4, s13;
	s7 =	sand.u32 $0x1, s5;
	s5 =	sadd.s32 $0x1C00, s1  }
0x8: {  	s9 =	smul.u32 $0x13880, s13;
	s10 =	sadd.s32 $0x2E000, s1;
	s15 =	sadd.s32 $0x2FA00, s1  }
0x9: {  	s18 =	smul.u32 $0x30D40, s13;
	_ =	strace $0x80000047;
	[dreg:$0x5] =	wrdreg s10  }
0xa: {  	s16 =	sadd.s32 $0x30000, s1;
	s12 =	smul.u32 $0x9C40, s13;
	[dreg:$0x6] =	wrdreg s15  }
0xb: {  	s31 =	sshll.u32 s13, $0x6;
	s8 =	smul.u32 $0x138800, s7;
	[dreg:$0x7] =	wrdreg s16  }
0xc: {  	s17 =	ssub.s32 $0x2, s7;
	s10 =	smul.u32 $0x7D, s7;
	p0 =	seq.s32 s7, $0x0  }
0xd: {  	s16 =	simm.s32 $0x5;
	s6 =	sadd.s32 s6, s1;
	s11 =	sshrl.u32 s17, $0x1  }
0xe: {  	s21 =	sshrl.u32 s18, $0x2;
	s22 =	sshrl.u32 s12, $0x2;
	s5 =	smov.u32 @p0 s0  }
0xf: {  	s8 =	sadd.s32 s9, s8;
	s19 =	ssub.s32 s17, s11;
	s20 =	sadd.s32 $0x24200, s6  }
0x10: {  	s6 =	sadd.s32 $0x1A400, s6;
	s23 =	sadd.s32 s21, s2;
	s24 =	sadd.s32 s22, s3  }
0x11: {  	s12 =	sadd.s32 $0x7D, s10;
	s22 =	simm.s32 $0x50;
	[dreg:$0x8] =	wrdreg s20  }
0x12: {  	s8 =	sshrl.u32 s8, $0x3;
	[dreg:$0x9] =	wrdreg s6;
	s26 =	smax.u32 s19, $0x1  }
0x13: {  	s19 =	sor.u32 $0x1C05, s31;
	s20 =	sshrl.u32 s23, $0x3;
	s1 =	sadd.s32 s8, s1  }
0x14: {  	s21 =	sshrl.u32 s24, $0x3;
	[dreg:$0xc] =	wrdreg s26;
	s25 =	sadd.s32 $0x30200, s1  }
0x15: {  	s23 =	simm.s32 $0x9C40;
	s1 =	sadd.s32 $0x3020A, s1;
	[dreg:$0xa] =	wrdreg s25  }
0x16: {  	s24 =	simm.s32 $0xB540;
	[dreg:$0xb] =	wrdreg s1;
	s1 =	simm.s32 $0x0  }
.LBB2_1:
0x17: {  	s0 =	rddreg [dreg:$0x8]  }
0x18: {  	[tilespmem:s4], [sflag:$0x5] =	stream.linear.gather [hbm4b:s0+s4], $0x4E20, $0x38;
	[tilespmem:$0x1EFA0] =	vst v63  }
0x19: {  	_ =	swait.ge [sflag:s16], $0x4E20  }
0x1a: {  	[sflag:s16] =	ssyncset.done $0x0  }
0x1b: {  	s6 =	simm.s32 $0x4E20;
	s14 =	rddreg [dreg:$0x9];
	[sflag:s16] =	ssyncadd.s32 $0xFFFFB1E0  }
0x1c: {  	[tilespmem:s6], [sflag:$0x5] =	stream.linear.gather [hbm4b:s14+s4], $0x4E20, $0x38;
	[tilespmem:$0x1EFA0] =	vst v63  }
0x1d: {  	_ =	swait.ge [sflag:s16], $0x4E20  }
0x1e: {  	[sflag:s16] =	ssyncset.done $0x0  }
0x1f: {  	s17 =	simm.s32 $0x10040;
	s15 =	rddreg [dreg:$0x7];
	[sflag:s16] =	ssyncadd.s32 $0xFFFFB1E0  }
0x20: {  	[tilespmem:s17], [sflag:$0x5] =	stream.linear.gather [hbm4b:s15+s4], $0x500, $0x38;
	[tilespmem:$0x1EFA0] =	vst v63  }
0x21: {  	_ =	swait.ge [sflag:s16], $0x500  }
0x22: {  	[sflag:s16] =	ssyncset.done $0x0  }
0x23: {  	s18 =	rddreg [dreg:$0x5];
	[sflag:s16] =	ssyncadd.s32 $0xFFFFFB00  }
0x24: {  	[spmem:s20], [sflag:s19] =	dma.local [hbm:s18], $0x186A  }
0x25: {  	_ =	swait.ge [sflag:s16], $0x186A  }
0x26: {  	[sflag:s16] =	ssyncset.done $0x0  }
0x27: {  	s25 =	rddreg [dreg:$0x6];
	[sflag:s16] =	ssyncadd.s32 $0xFFFFE796  }
0x28: {  	[spmem:s21], [sflag:s19] =	dma.local [hbm:s25], $0x4E2  }
0x29: {  	_ =	swait.ge [sflag:s16], $0x4E2  }
0x2a: {  	[sflag:s16] =	ssyncset.done $0x0  }
0x2b: {  	[sflag:s16] =	ssyncadd.s32 $0xFFFFFB1E  }
0x2c: {  	[tilespmem:s23], [sflag:$0x1] =	stream.indirect.gather [hbm4b:s5+s22], $0x50, s4, s22, $0xb8;
	[tilespmem:$0x1EFA0] =	vst v63  }
0x2d: {  	_ = 	snop  }
0x2e: {  	[tilespmem:s24], [sflag:$0x2] =	stream.indirect.gather [hbm4b:s5+s22], $0x50, s22, s22, $0xb8;
	[tilespmem:$0x1EFA0] =	vst v63  }
0x2f: {  	s26 =	simm.s32 $0xA0;
	s31 =	simm.s32 $0xCE40  }
0x30: {  	[tilespmem:s31], [sflag:$0x3] =	stream.indirect.gather [hbm4b:s5+s22], $0x50, s26, s22, $0xb8;
	[tilespmem:$0x1EFA0] =	vst v63  }
0x31: {  	[bflag:$0x0] =	sbarrier.arrive $0xFFFF  }
0x32: {  	p1 =	por $0x0, $0x0;
	_ =	swait.ge [sflag:s28], $0x1900  }
0x33: {  	p0 =	sgt.u32 s10, $0x0;
	s0 =	simm.s32 @!p1 $0xF0;
	[sflag:s28] =	ssyncset.done $0x0  }
0x34: {  	s17 =	simm.s32 @!p1 $0xE740;
	s18 =	simm.s32 @!p1 $0x50;
	[sflag:s28] =	ssyncadd.s32 $0xFFFFE700  }
0x35: {  	[tilespmem:s17], [sflag:$0x4] =	stream.indirect.gather @!p1 [hbm4b:s5+s18], $0x50, s0, s18, $0xb8;
	[tilespmem:$0x1EFA0] =	vst v63  }
0x36: {  	p2 =	sle.u32 @!p0 s12, $0x0;
	s0 =	simm.s32 $0x4E20  }
0x37: {  	[spmem:s2] =	stream.indirect.scatter.add.f32 [tilespmem:s23], [sflag:$0x6], $0x50, s0, s22, $0xb8;
	[tilespmem:$0x1EFA0] =	vst v63  }
0x38: {  	p0 =	por p2, p0;
	_ =	swait.ge [sflag:s29], $0x1900  }
0x39: {  	s7 =	simm.s32 @!p0 $0x10040;
	[sflag:s29] =	ssyncset.done $0x0  }
0x3a: {  	s8 =	simm.s32 @!p0 $0x6;
	s6 =	simm.s32 @!p0 $0x50;
	[sflag:s29] =	ssyncadd.s32 $0xFFFFE700  }
0x3b: {  	[spmem:s3] =	stream.indirect.scatter.add.f32 @!p0 [tilespmem:s7], [sflag:$0x6], $0x10, s0, s6, $0xb8;
	[tilespmem:$0x1EFA0] =	vst v63  }
0x3c: {  	_ =	swait.ge @!p0 [sflag:s8], $0x500  }
0x3d: {  	[sflag:s8] =	ssyncset.done @!p0 $0x0  }
0x3e: {  	[sflag:s8] =	ssyncadd.s32 @!p0 $0xFFFFFB00  }
0x3f: {  	p0 =	por $0x0, $0x0;
	_ =	swait.ge [sflag:s30], $0x1900  }
0x40: {  	p2 =	sgt.u32 s10, $0x1;
	s0 =	simm.s32 @!p0 $0x50;
	[sflag:s30] =	ssyncset.done $0x0  }
0x41: {  	s6 =	simm.s32 @!p0 $0x140;
	s7 =	simm.s32 @!p0 $0x9C40;
	[sflag:s30] =	ssyncadd.s32 $0xFFFFE700  }
0x42: {  	[tilespmem:s7], [sflag:$0x1] =	stream.indirect.gather @!p0 [hbm4b:s5+s0], $0x50, s6, s0, $0xb8;
	[tilespmem:$0x1EFA0] =	vst v63  }
0x43: {  	p0 =	sle.u32 @!p2 s12, $0x1;
	s0 =	simm.s32 $0x4E70  }
0x44: {  	[spmem:s2] =	stream.indirect.scatter.add.f32 [tilespmem:s24], [sflag:$0x6], $0x50, s0, s22, $0xb8;
	[tilespmem:$0x1EFA0] =	vst v63  }
0x45: {  	p5 =	por p0, p2;
	_ =	swait.ge [sflag:s29], $0x1900  }
0x46: {  	p3 =	por $0x0, $0x0;
	s6 =	simm.s32 @!p5 $0x6;
	[sflag:s29] =	ssyncset.done $0x0  }
0x47: {  	s7 =	simm.s32 @!p5 $0x50;
	s8 =	simm.s32 @!p5 $0x10040;
	[sflag:s29] =	ssyncadd.s32 $0xFFFFE700  }
0x48: {  	[spmem:s3] =	stream.indirect.scatter.add.f32 @!p5 [tilespmem:s8], [sflag:$0x6], $0x10, s0, s7, $0xb8;
	[tilespmem:$0x1EFA0] =	vst v63  }
0x49: {  	p6 =	sgt.u32 @!p3 s10, $0x2;
	s25 =	simm.s32 $0x500;
	_ =	swait.ge @!p5 [sflag:s6], $0x500  }
0x4a: {  	s26 =	simm.s32 $0x1;
	p0 =	por @!p1 $0x0, $0x0;
	[sflag:s6] =	ssyncset.done @!p5 $0x0  }
0x4b: {  	p2 =	sgt.u32 @!p1 s10, $0x3;
	s0 =	simm.s32 @!p3 $0x3;
	[sflag:s6] =	ssyncadd.s32 @!p5 $0xFFFFFB00  }
0x4c: {  	s7 =	simm.s32 @!p3 $0x4EC0;
	s8 =	simm.s32 @!p3 $0xB540;
	_ =	swait.ge @!p3 [sflag:s0], $0x1900  }
0x4d: {  	s6 =	simm.s32 @!p3 $0x190;
	p5 =	por p6, p3;
	[sflag:s0] =	ssyncset.done @!p3 $0x0  }
0x4e: {  	p5 =	sle.u32 @!p5 s12, $0x2;
	[sflag:s0] =	ssyncadd.s32 @!p3 $0xFFFFE700;
	s0 =	simm.s32 @!p3 $0x50  }
0x4f: {  	[tilespmem:s8], [sflag:$0x2] =	stream.indirect.gather @!p3 [hbm4b:s5+s0], $0x50, s6, s0, $0xb8;
	[tilespmem:$0x1EFA0] =	vst v63  }
0x50: {  	p5 =	por @!p3 p5, p6;
	s6 =	simm.s32 @!p3 $0xCE40;
	s8 =	simm.s32 @!p3 $0x6  }
0x51: {  	[spmem:s2] =	stream.indirect.scatter.add.f32 @!p3 [tilespmem:s6], [sflag:$0x6], $0x50, s7, s0, $0xb8;
	[tilespmem:$0x1EFA0] =	vst v63  }
0x52: {  	p0 =	por p0, p1;
	p5 =	por p5, p3;
	_ =	swait.ge @!p3 [sflag:s8], $0x1900  }
0x53: {  	p4 =	por p2, p1;
	s9 =	simm.s32 @!p5 $0x10040;
	[sflag:s8] =	ssyncset.done @!p3 $0x0  }
0x54: {  	s11 =	simm.s32 @!p5 $0x6;
	s0 =	simm.s32 @!p5 $0x50;
	[sflag:s8] =	ssyncadd.s32 @!p3 $0xFFFFE700  }
0x55: {  	[spmem:s3] =	stream.indirect.scatter.add.f32 @!p5 [tilespmem:s9], [sflag:$0x6], $0x10, s7, s0, $0xb8;
	[tilespmem:$0x1EFA0] =	vst v63  }
0x56: {  	p4 =	sle.u32 @!p4 s12, $0x3;
	s13 =	simm.s32 @!p0 $0xCE40;
	_ =	swait.ge @!p5 [sflag:s11], $0x500  }
0x57: {  	p3 =	por @!p1 p4, p2;
	p1 =	por p1, p1;
	[sflag:s11] =	ssyncset.done @!p5 $0x0  }
0x58: {  	s6 =	simm.s32 @!p0 $0x1E0;
	s8 =	simm.s32 @!p1 $0x4;
	[sflag:s11] =	ssyncadd.s32 @!p5 $0xFFFFFB00  }
0x59: {  	s9 =	simm.s32 @!p1 $0x4F10;
	s0 =	simm.s32 $0x7;
	_ =	swait.ge @!p1 [sflag:s8], $0x1900  }
0x5a: {  	s7 =	simm.s32 @!p0 $0x50;
	s11 =	simm.s32 @!p1 $0x6;
	[sflag:s8] =	ssyncset.done @!p1 $0x0  }
.LBB2_2:
0x5b: {  	p4 =	sgt.u32 s0, $0xF9;
	[sflag:s8] =	ssyncadd.s32 @!p1 $0xFFFFE700  }
0x5c: {  	[tilespmem:s13], [sflag:$0x3] =	stream.indirect.gather @!p0 [hbm4b:s5+s7], $0x50, s6, s7, $0xb8;
	[tilespmem:$0x1EFA0] =	vst v63  }
0x5d: {  	p2 =	por p3, p1;
	s8 =	smov.u32 s25;
	s7 =	sshra.s32 @!p4 s25, $0x2  }
0x5e: {  	s6 =	simm.s32 @!p2 $0x10040;
	s13 =	simm.s32 @!p2 $0x5;
	p0 =	sgt.u32 @!p4 s26, $0x3C  }
0x5f: {  	[spmem:s2] =	stream.indirect.scatter.add.f32 @!p1 [tilespmem:s17], [sflag:$0x6], $0x50, s9, s18, $0xb8;
	[tilespmem:$0x1EFA0] =	vst v63  }
0x60: {  	p3 =	slt.u32 @!p4 s0, s10;
	s14 =	sadd.s32 @!p4 $0xF0, s7;
	_ =	swait.ge @!p1 [sflag:s11], $0x1900  }
0x61: {  	p0 =	por p0, p4;
	s17 =	simm.s32 @!p4 $0xE740;
	[sflag:s11] =	ssyncset.done @!p1 $0x0  }
0x62: {  	s18 =	simm.s32 @!p4 $0x50;
	[sflag:s11] =	ssyncadd.s32 @!p1 $0xFFFFE700;
	s11 =	simm.s32 @!p2 $0x50  }
0x63: {  	[spmem:s3] =	stream.indirect.scatter.add.f32 @!p2 [tilespmem:s6], [sflag:$0x5], $0x10, s9, s11, $0xb8;
	[tilespmem:$0x1EFA0] =	vst v63  }
0x64: {  	p1 =	por p3, p4;
	s6 =	sshra.s32 @!p0 s25, $0x2;
	_ =	swait.ge @!p2 [sflag:s13], $0x500  }
0x65: {  	s9 =	sadd.s32 $0xFFFFFFFD, s0;
	p1 =	sge.u32 @!p1 s0, s12;
	[sflag:s13] =	ssyncset.done @!p2 $0x0  }
0x66: {  	s25 =	sadd.s32 $0x500, s25;
	p5 =	slt.u32 s9, s10;
	[sflag:s13] =	ssyncadd.s32 @!p2 $0xFFFFFB00  }
0x67: {  	p3 =	por @!p4 p1, p3;
	p1 =	sne.s32 s25, $0x13B00;
	_ =	swait.ge [sflag:s28], $0x1900  }
0x68: {  	p6 =	sge.u32 @!p5 s9, s12;
	s11 =	simm.s32 @!p1 $0x0;
	[sflag:s28] =	ssyncset.done $0x0  }
0x69: {  	s9 =	sshra.s32 s8, $0x2;
	s11 =	simm.s32 @p1 $0x1;
	[sflag:s28] =	ssyncadd.s32 $0xFFFFE700  }
0x6a: {  	[tilespmem:s17], [sflag:$0x4] =	stream.indirect.gather @!p4 [hbm4b:s5+s18], $0x50, s14, s18, $0xb8;
	[tilespmem:$0x1EFA0] =	vst v63  }
0x6b: {  	[smem:$0x7FD] =	sst s11;
	s11 =	sadd.s32 $0x4E20, s9  }
0x6c: {  	[spmem:s2] =	stream.indirect.scatter.add.f32 [tilespmem:s23], [sflag:$0x6], $0x50, s11, s22, $0xb8;
	[tilespmem:$0x1EFA0] =	vst v63  }
0x6d: {  	p1 =	por p4, p4;
	p4 =	por p6, p5;
	_ =	swait.ge [sflag:s29], $0x1900  }
0x6e: {  	s14 =	simm.s32 @!p4 $0x50;
	[sflag:s29] =	ssyncset.done $0x0  }
0x6f: {  	s15 =	simm.s32 @!p4 $0x10040;
	s31 =	simm.s32 @!p4 $0x6;
	[sflag:s29] =	ssyncadd.s32 $0xFFFFE700  }
0x70: {  	[spmem:s3] =	stream.indirect.scatter.add.f32 @!p4 [tilespmem:s15], [sflag:$0x6], $0x10, s11, s14, $0xb8;
	[tilespmem:$0x1EFA0] =	vst v63  }
0x71: {  	_ =	swait.ge @!p4 [sflag:s31], $0x500  }
0x72: {  	[sflag:s31] =	ssyncset.done @!p4 $0x0  }
0x73: {  	s13 =	sadd.s32 $0xFFFFFFFE, s0;
	[sflag:s31] =	ssyncadd.s32 @!p4 $0xFFFFFB00  }
0x74: {  	p5 =	slt.u32 s13, s10;
	p4 =	seq.s32 s8, $0x13600;
	_ =	swait.ge [sflag:s30], $0x1900  }
0x75: {  	s11 =	simm.s32 @!p4 $0x50;
	s14 =	sshra.s32 @!p4 s8, $0x2;
	[sflag:s30] =	ssyncset.done $0x0  }
0x76: {  	s15 =	simm.s32 @!p4 $0x9C40;
	s14 =	sadd.s32 @!p4 $0x140, s14;
	[sflag:s30] =	ssyncadd.s32 $0xFFFFE700  }
0x77: {  	[tilespmem:s15], [sflag:$0x1] =	stream.indirect.gather @!p4 [hbm4b:s5+s11], $0x50, s14, s11, $0xb8;
	[tilespmem:$0x1EFA0] =	vst v63  }
0x78: {  	s9 =	sadd.s32 $0x4E70, s9;
	p6 =	sge.u32 @!p5 s13, s12  }
0x79: {  	[spmem:s2] =	stream.indirect.scatter.add.f32 [tilespmem:s24], [sflag:$0x6], $0x50, s9, s22, $0xb8;
	[tilespmem:$0x1EFA0] =	vst v63  }
0x7a: {  	p5 =	por p6, p5;
	_ =	swait.ge [sflag:s29], $0x1900  }
0x7b: {  	s13 =	sadd.s32 $0xFFFFFFFF, s0;
	s31 =	simm.s32 @!p5 $0x10040;
	[sflag:s29] =	ssyncset.done $0x0  }
0x7c: {  	s11 =	simm.s32 @!p5 $0x6;
	s15 =	simm.s32 @!p5 $0x50;
	[sflag:s29] =	ssyncadd.s32 $0xFFFFE700  }
0x7d: {  	[spmem:s3] =	stream.indirect.scatter.add.f32 @!p5 [tilespmem:s31], [sflag:$0x6], $0x10, s9, s15, $0xb8;
	[tilespmem:$0x1EFA0] =	vst v63  }
0x7e: {  	p4 =	sgt.u32 s13, $0xF9;
	_ =	swait.ge @!p5 [sflag:s11], $0x500  }
0x7f: {  	s8 =	sshra.s32 @!p4 s8, $0x2;
	[sflag:s11] =	ssyncset.done @!p5 $0x0  }
0x80: {  	p6 =	slt.u32 @!p4 s13, s10;
	s9 =	simm.s32 @!p4 $0x3;
	[sflag:s11] =	ssyncadd.s32 @!p5 $0xFFFFFB00  }
0x81: {  	s14 =	sadd.s32 @!p4 $0x190, s8;
	p2 =	por p6, p4;
	_ =	swait.ge @!p4 [sflag:s9], $0x1900  }
0x82: {  	s8 =	sadd.s32 @!p4 $0x4EC0, s8;
	p2 =	sge.u32 @!p2 s13, s12;
	[sflag:s9] =	ssyncset.done @!p4 $0x0  }
0x83: {  	s11 =	simm.s32 @!p4 $0xB540;
	[sflag:s9] =	ssyncadd.s32 @!p4 $0xFFFFE700;
	s9 =	simm.s32 @!p4 $0x50  }
0x84: {  	[tilespmem:s11], [sflag:$0x2] =	stream.indirect.gather @!p4 [hbm4b:s5+s9], $0x50, s14, s9, $0xb8;
	[tilespmem:$0x1EFA0] =	vst v63  }
0x85: {  	s13 =	simm.s32 @!p4 $0x6;
	p2 =	por @!p4 p2, p6;
	s11 =	simm.s32 @!p4 $0xCE40  }
0x86: {  	[spmem:s2] =	stream.indirect.scatter.add.f32 @!p4 [tilespmem:s11], [sflag:$0x6], $0x50, s8, s9, $0xb8;
	[tilespmem:$0x1EFA0] =	vst v63  }
0x87: {  	p5 =	por p2, p4;
	_ =	swait.ge @!p4 [sflag:s13], $0x1900  }
0x88: {  	s14 =	simm.s32 @!p5 $0x6;
	[sflag:s13] =	ssyncset.done @!p4 $0x0  }
0x89: {  	s9 =	simm.s32 @!p5 $0x50;
	s11 =	simm.s32 @!p5 $0x10040;
	[sflag:s13] =	ssyncadd.s32 @!p4 $0xFFFFE700  }
0x8a: {  	[spmem:s3] =	stream.indirect.scatter.add.f32 @!p5 [tilespmem:s11], [sflag:$0x6], $0x10, s8, s9, $0xb8;
	[tilespmem:$0x1EFA0] =	vst v63  }
0x8b: {  	_ =	swait.ge @!p5 [sflag:s14], $0x500  }
0x8c: {  	[sflag:s14] =	ssyncset.done @!p5 $0x0  }
0x8d: {  	s8 =	simm.s32 @!p1 $0x4;
	[sflag:s14] =	ssyncadd.s32 @!p5 $0xFFFFFB00  }
0x8e: {  	_ =	swait.ge @!p1 [sflag:s8], $0x1900  }
0x8f: {  	s31 =	sld [smem:$0x7FD];
	_ =	sdelay $0x2  }
0x90: {  	p2 =	seq.s32 s31, $0x1  }
.Ltmp0:
0x91: {  	_ = 	snop;
	(pc) =	sbr.rel @p2 .LBB2_2-.Ltmp0, $4  }
0x92: {  	_ = 	snop  }
0x93: {  	s26 =	sadd.s32 $0x1, s26;
	s6 =	sadd.s32 @!p0 $0x1E0, s6  }
0x94: {  	s0 =	sadd.s32 $0x4, s0;
	s13 =	simm.s32 @!p0 $0xCE40;
	s9 =	sadd.s32 @!p1 $0x4F10, s7  }
0x95: {  	s11 =	simm.s32 @!p1 $0x6;
	s7 =	simm.s32 @!p0 $0x50;
	[sflag:s8] =	ssyncset.done @!p1 $0x0  }
0x96: {  	[sflag:s8] =	ssyncadd.s32 @!p1 $0xFFFFE700  }
0x97: {  	[tilespmem:s13], [sflag:$0x3] =	stream.indirect.gather @!p0 [hbm4b:s5+s7], $0x50, s6, s7, $0xb8;
	[tilespmem:$0x1EFA0] =	vst v63  }
0x98: {  	_ = 	snop  }
0x99: {  	[spmem:s2] =	stream.indirect.scatter.add.f32 @!p1 [tilespmem:s17], [sflag:$0x6], $0x50, s9, s18, $0xb8;
	[tilespmem:$0x1EFA0] =	vst v63  }
0x9a: {  	p0 =	por p3, p1;
	_ =	swait.ge @!p1 [sflag:s11], $0x1900  }
0x9b: {  	s0 =	simm.s32 @!p0 $0x10040;
	[sflag:s11] =	ssyncset.done @!p1 $0x0  }
0x9c: {  	s6 =	simm.s32 @!p0 $0x5;
	s7 =	simm.s32 @!p0 $0x50;
	[sflag:s11] =	ssyncadd.s32 @!p1 $0xFFFFE700  }
0x9d: {  	[spmem:s3] =	stream.indirect.scatter.add.f32 @!p0 [tilespmem:s0], [sflag:$0x5], $0x10, s9, s7, $0xb8;
	[tilespmem:$0x1EFA0] =	vst v63  }
0x9e: {  	_ =	swait.ge @!p0 [sflag:s6], $0x500  }
0x9f: {  	[sflag:s6] =	ssyncset.done @!p0 $0x0  }
0xa0: {  	[sflag:s6] =	ssyncadd.s32 @!p0 $0xFFFFFB00  }
0xa1: {  	[bflag:$0x0] =	sbarrier.arrive $0xFFFF  }
0xa2: {  	s25 =	simm.s32 $0xA;
	s18 =	simm.s32 $0x10;
	s17 =	rddreg [dreg:$0xa]  }
0xa3: {  	[hbm:s17@s18], [sflag:s19] =	dma.strided [spmem:s20@s25], $0x186A, s28, $0xa   }
0xa4: {  	_ =	swait.ge [sflag:s16], $0x186A  }
0xa5: {  	[sflag:s16] =	ssyncset.done $0x0  }
0xa6: {  	s26 =	rddreg [dreg:$0xb];
	[sflag:s16] =	ssyncadd.s32 $0xFFFFE796  }
0xa7: {  	[hbm:s26@s18], [sflag:s19] =	dma.strided [spmem:s21@s30], $0x4E2, s28, $0x2   }
0xa8: {  	_ =	swait.ge [sflag:s16], $0x4E2  }
0xa9: {  	s1 =	sadd.s32 $0x1, s1;
	s31 =	rddreg [dreg:$0xc]  }
0xaa: {  	p0 =	sne.s32 s1, s31  }
.Ltmp1:
0xab: {  	_ = 	snop;
	(pc) =	sbr.rel @p0 .LBB2_1-.Ltmp1, $3  }
0xac: {  	_ =	sdelay $0x1  }
0xad: {  	[sflag:s16] =	ssyncset.done $0x0  }
0xae: {  	[sflag:s16] =	ssyncadd.s32 $0xFFFFFB1E  }
0xaf: {  	_ =	sfence.sel $0x180000  }
0xb0: {  	[bflag:$0x0] =	sbarrier.arrive $0xFFFF  }
0xb1: {  	_ =	strace $0x90000047  }
0xb2: {  	s0 =	stileid.u32;
	[bflag:$0x2] =	sbarrier.arrive $0xFFFF  }
0xb3: {  	p0 =	sne.s32 s0, $0x0;
	s0 =	rddreg [dreg:$0x4]  }
0xb4: {  	s0 =	sadd.s32 @!p0 $0x100000, s0  }
0xb5: {  	[sflag:s0] =	ssyncadd.tile.s32 @!p0 $0x1;
	_ =	shalt  }
.Lfunc_end2:
_tile_overlayer_lowered:
.L_overlay_start_2:
0xb6: {  	(tag) =	ssettag $0x2  }
0xb7: {  	s0 =	rddreg [dreg:$0x0];
	s2 =	stileid.u32  }
0xb8: {  	s1 =	rddreg [dreg:$0x1];
	p0 =	sne.s32 s2, $0x0  }
0xb9: {  	s3 =	rddreg [dreg:$0x2];
	[bflag:$0x3] =	sbarrier.arrive $0xFFFF;
	s2 =	simm.s32 @!p0 $0x1C05  }
0xba: {  	[timem:s3], [sflag:s2] =	dma.local @!p0 [hbm:s0], s1  }
0xbb: {  	s0 =	simm.s32 @!p0 $0x5  }
0xbc: {  	_ =	swait.ge @!p0 [sflag:s0], s1  }
0xbd: {  	s1 =	ssub.s32 @!p0 $0x0, s1;
	[sflag:s0] =	ssyncset.done @!p0 $0x0  }
0xbe: {  	[sflag:s0] =	ssyncadd.s32 @!p0 s1  }
0xbf: {  	[bflag:$0x3] =	sbarrier.arrive $0xFFFF  }
0xc0: {  	_ =	shalt  }

</sc_bundles>
